<compile_context>
chip_gen: v7x
topology: tpu7x:2x2x1
jax: 0.10.2.dev20260603
libtpu: 0.0.44.dev20260713+nightly
codegen_flags: <defaults>
</compile_context>

<pallas_src>
import functools

import jax
import jax.numpy as jnp
from jax import lax
from jax.experimental import pallas as pl
from jax.experimental.pallas import tpu as pltpu
from jax.experimental.pallas import tpu_sc as plsc

NUM_ACTIONS = 1000
MODEL_DIM = 128
BATCH = 16384
HIST = 50

NC = 2
NS = 16
NW = NC * NS

N_WORDS = BATCH * HIST // 2
COLS = BATCH // 2
C_PER_W = COLS // NW
CH = 256
N_STEPS = HIST * (C_PER_W // CH)


def _make_gather():
    mesh = plsc.VectorSubcoreMesh(core_axis_name="c", subcore_axis_name="s")

    @functools.partial(
        pl.kernel,
        mesh=mesh,
        compiler_params=pltpu.CompilerParams(needs_layout_passes=False),
        out_type=jax.ShapeDtypeStruct((2 * N_WORDS, MODEL_DIM), jnp.bfloat16),
        scratch_types=[
            pltpu.VMEM((2 * CH,), jnp.int32),
            pltpu.VMEM((2 * CH,), jnp.int32),
            pltpu.VMEM((CH,), jnp.int32),
            pltpu.VMEM((CH,), jnp.int32),
            pltpu.VMEM((CH,), jnp.int32),
            pltpu.VMEM((CH,), jnp.int32),
            pltpu.VMEM((CH, MODEL_DIM), jnp.int32),
            pltpu.VMEM((CH, MODEL_DIM), jnp.int32),
            pltpu.SemaphoreType.DMA,
            pltpu.SemaphoreType.DMA,
            pltpu.SemaphoreType.DMA,
            pltpu.SemaphoreType.DMA,
        ],
    )
    def k(lo_hbm, hi_hbm, act_hbm, out_hbm,
          wi0, wi1, ie0, ie1, io0, io1, wb0, wb1, ls0, ls1, hs0, hs1):
        wid = lax.axis_index("s") * NC + lax.axis_index("c")
        col0 = wid * C_PER_W
        out_words = out_hbm.bitcast(jnp.int32)

        evens = lax.iota(jnp.int32, 16) * 2

        wins = (wi0, wi1)
        ies = (ie0, ie1)
        ios = (io0, io1)
        wbufs = (wb0, wb1)
        lsems = (ls0, ls1)
        hsems = (hs0, hs1)

        def coords(step):
            t = step // (C_PER_W // CH)
            c = col0 + (step % (C_PER_W // CH)) * CH
            return t, c, t * COLS + c

        def fire_lo(step, b):
            t, c, _ = coords(step)
            pltpu.sync_copy(act_hbm.at[t, pl.ds(2 * c, 2 * CH)], wins[b])
            for j in range(CH // 16):
                pos = evens + (32 * j)
                ies[b][pl.ds(16 * j, 16)] = plsc.load_gather(wins[b], [pos])
                ios[b][pl.ds(16 * j, 16)] = plsc.load_gather(wins[b], [pos + 1])
            pltpu.async_copy(lo_hbm.at[ies[b]], wbufs[b], lsems[b])

        def fire_hi(step, b):
            pltpu.async_copy(hi_hbm.at[ios[b]], wbufs[b], hsems[b], add=True)

        def drain(sem, b):
            pltpu.make_async_copy(
                out_words.at[pl.ds(0, CH)], wbufs[b], sem
            ).wait()

        fire_lo(0, 0)
        fire_lo(1, 1)
        drain(ls0, 0)
        fire_hi(0, 0)

        def group(g, carry):
            for b in range(2):
                i = g * 2 + b
                nb = 1 - b
                drain(hsems[b], b)
                pltpu.sync_copy(
                    wbufs[b],
                    out_words.at[pl.ds(coords(i)[2], CH)],
                )
                @pl.when(i < N_STEPS - 2)
                def _():
                    fire_lo(i + 2, b)
                @pl.when(i < N_STEPS - 1)
                def _():
                    drain(lsems[nb], nb)
                    fire_hi(i + 1, nb)
            return carry

        lax.fori_loop(0, N_STEPS // 2, group, 0)

    return k


_gather = _make_gather()


def kernel(actions, action_tokens):
    bits = jax.lax.bitcast_convert_type(
        action_tokens.astype(jnp.bfloat16), jnp.uint16
    ).astype(jnp.int32)
    lo_t = bits
    hi_t = bits << 16
    acts_t = actions.astype(jnp.int32).T
    out_flat = _gather(lo_t, hi_t, acts_t)
    return out_flat.reshape(HIST, BATCH, MODEL_DIM).transpose(1, 0, 2)

# --- scband reference (transcript-rebuilt; emitter-appended) ---
"""Pipeline reference for scband-action-embedding-89343909691815 (READ-ONLY COPY).

The authoritative reference and input builder live on the scoring server;
editing this copy changes nothing except your own understanding.
"""

import jax, jax.numpy as jnp
import numpy as np

NUM_ACTIONS = 1000
MODEL_DIM = 128
BATCH = 16384
HIST = 50

def setup_inputs(seed: int = 0) -> dict:
    key = jax.random.key(seed)
    k1, k2 = jax.random.split(key)
    actions = jax.random.randint(k1, (BATCH, HIST), 0, NUM_ACTIONS, dtype=jnp.int64 if jax.config.jax_enable_x64 else jnp.int32)
    action_tokens = jax.random.normal(k2, (NUM_ACTIONS, MODEL_DIM), dtype=jnp.float32) * 0.02
    return {"actions": actions, "action_tokens": action_tokens}

def reference(actions, action_tokens):
    # Faithful to ActionEmbedding.__call__: param is stored fp32, cast to bf16,
    # then gathered along axis 0 by the integer action ids.
    table = action_tokens.astype(jnp.bfloat16)
    return jnp.take(table, actions, axis=0)

if __name__ == "__main__":
    import jax
    _d = setup_inputs()
    print(jax.jit(kernel)(*tuple(_d.values())))

</pallas_src>

<mosaic_0001>
#map = affine_map<(d0, d1) -> (0, 0)>
module attributes {stable_mosaic.version = 14 : i64} {
  func.func @k(%arg0: i32, %arg1: i32, %arg2: memref<1000x128xi32, #tpu.memory_space<hbm>>, %arg3: memref<1000x128xi32, #tpu.memory_space<hbm>>, %arg4: memref<50x16384xi32, #tpu.memory_space<hbm>>, %arg5: memref<819200x128xbf16, #tpu.memory_space<hbm>>, %arg6: memref<512xi32, #tpu.memory_space<vmem>>, %arg7: memref<512xi32, #tpu.memory_space<vmem>>, %arg8: memref<256xi32, #tpu.memory_space<vmem>>, %arg9: memref<256xi32, #tpu.memory_space<vmem>>, %arg10: memref<256xi32, #tpu.memory_space<vmem>>, %arg11: memref<256xi32, #tpu.memory_space<vmem>>, %arg12: memref<256x128xi32, #tpu.memory_space<vmem>>, %arg13: memref<256x128xi32, #tpu.memory_space<vmem>>, %arg14: memref<!tpu.dma_semaphore, #tpu.memory_space<semaphore_mem>>, %arg15: memref<!tpu.dma_semaphore, #tpu.memory_space<semaphore_mem>>, %arg16: memref<!tpu.dma_semaphore, #tpu.memory_space<semaphore_mem>>, %arg17: memref<!tpu.dma_semaphore, #tpu.memory_space<semaphore_mem>>) attributes {dimension_semantics = [#tpu.dimension_semantics<core_parallel>, #tpu.dimension_semantics<subcore_parallel>], iteration_bounds = array<i64: 2, 16>, scalar_prefetch = 0 : i64, scratch_operands = 12 : i64, tpu.core_type = #tpu.core_type<sc_vector_subcore>, window_params = [{transform_indices = #map}, {transform_indices = #map}, {transform_indices = #map}, {transform_indices = #map}]} {
    %mul3A = arith.constant 2 : i32
    %mul3A_0 = arith.muli %arg1, %mul3A : i32
    %add3A = arith.addi %mul3A_0, %arg0 : i32
    %mul3A_1 = arith.constant 256 : i32
    %mul3A_2 = arith.muli %add3A, %mul3A_1 : i32
    %iota3A = tpu.iota {dimensions = array<i32: 0>} : vector<16xi32>
    %mul3A_3 = arith.constant 2 : i32
    %mul3A_4 = vector.broadcast %mul3A_3 : i32 to vector<16xi32>
    %mul3A_5 = arith.muli %iota3A, %mul3A_4 : vector<16xi32>
    %add3A_6 = arith.constant 0 : i32
    %add3A_7 = arith.addi %mul3A_2, %add3A_6 : i32
    %add3A_8 = arith.constant 0 : i32
    %add3A_9 = arith.addi %add3A_8, %add3A_7 : i32
    %mul3A_10 = arith.constant 2 : i32
    %mul3A_11 = arith.muli %mul3A_10, %add3A_7 : i32
    %run_scoped3A = arith.constant 0 : i32
    "tpu.region"() ({
      %run_scoped3A_421 = tpu.sem_alloc : memref<!tpu.dma_semaphore, #tpu.memory_space<semaphore_mem>>
      %dma_start3A_422 = tpu.memref_slice %arg4[%run_scoped3A, %mul3A_11] : memref<50x16384xi32, #tpu.memory_space<hbm>> -> memref<1x512xi32, #tpu.memory_space<hbm>>
      %dma_start3A_423 = tpu.memref_squeeze %dma_start3A_422 : memref<1x512xi32, #tpu.memory_space<hbm>> -> memref<512xi32, #tpu.memory_space<hbm>>
      %dma_start3A_424 = tpu.memref_slice %arg4[%run_scoped3A, %mul3A_11] : memref<50x16384xi32, #tpu.memory_space<hbm>> -> memref<1x512xi32, #tpu.memory_space<hbm>>
      %dma_start3A_425 = tpu.memref_squeeze %dma_start3A_424 : memref<1x512xi32, #tpu.memory_space<hbm>> -> memref<512xi32, #tpu.memory_space<hbm>>
      tpu.enqueue_dma source(%dma_start3A_425 : memref<512xi32, #tpu.memory_space<hbm>>) target(%arg6 : memref<512xi32, #tpu.memory_space<vmem>>) target_semaphore(%run_scoped3A_421 : memref<!tpu.dma_semaphore, #tpu.memory_space<semaphore_mem>>)
      %dma_wait3A_426 = tpu.memref_slice %arg4[%run_scoped3A, %mul3A_11] : memref<50x16384xi32, #tpu.memory_space<hbm>> -> memref<1x512xi32, #tpu.memory_space<hbm>>
      %dma_wait3A_427 = tpu.memref_squeeze %dma_wait3A_426 : memref<1x512xi32, #tpu.memory_space<hbm>> -> memref<512xi32, #tpu.memory_space<hbm>>
      %dma_wait3A_428 = tpu.memref_slice %arg4[%run_scoped3A, %mul3A_11] : memref<50x16384xi32, #tpu.memory_space<hbm>> -> memref<1x512xi32, #tpu.memory_space<hbm>>
      %dma_wait3A_429 = tpu.memref_squeeze %dma_wait3A_428 : memref<1x512xi32, #tpu.memory_space<hbm>> -> memref<512xi32, #tpu.memory_space<hbm>>
      tpu.wait_dma2 semaphore(%run_scoped3A_421 : memref<!tpu.dma_semaphore, #tpu.memory_space<semaphore_mem>>) src(%dma_wait3A_429 : memref<512xi32, #tpu.memory_space<hbm>>) dst(%arg6 : memref<512xi32, #tpu.memory_space<vmem>>)
      tpu.yield
    }) : () -> ()
    %add3A_12 = arith.constant 0 : i32
    %add3A_13 = vector.broadcast %add3A_12 : i32 to vector<16xi32>
    %add3A_14 = arith.addi %mul3A_5, %add3A_13 : vector<16xi32>
    %gather3A = tpu.vector_load_idx %arg6[%add3A_14] : memref<512xi32, #tpu.memory_space<vmem>>[vector<16xi32>], vector<16xi32>,
    %swap3A = arith.constant 0 : index
    %swap3A_15 = tpu.vector_load %arg8[%swap3A] {strides = array<i32>} : memref<256xi32, #tpu.memory_space<vmem>>, vector<16xi32>,
    tpu.vector_store %arg8[%swap3A], %gather3A {strides = array<i32>} : memref<256xi32, #tpu.memory_space<vmem>>, vector<16xi32>,
    %add3A_16 = arith.constant 1 : i32
    %add3A_17 = vector.broadcast %add3A_16 : i32 to vector<16xi32>
    %add3A_18 = arith.addi %add3A_14, %add3A_17 : vector<16xi32>
    %gather3A_19 = tpu.vector_load_idx %arg6[%add3A_18] : memref<512xi32, #tpu.memory_space<vmem>>[vector<16xi32>], vector<16xi32>,
    %swap3A_20 = arith.constant 0 : index
    %swap3A_21 = tpu.vector_load %arg10[%swap3A_20] {strides = array<i32>} : memref<256xi32, #tpu.memory_space<vmem>>, vector<16xi32>,
    tpu.vector_store %arg10[%swap3A_20], %gather3A_19 {strides = array<i32>} : memref<256xi32, #tpu.memory_space<vmem>>, vector<16xi32>,
    %add3A_22 = arith.constant 32 : i32
    %add3A_23 = vector.broadcast %add3A_22 : i32 to vector<16xi32>
    %add3A_24 = arith.addi %mul3A_5, %add3A_23 : vector<16xi32>
    %gather3A_25 = tpu.vector_load_idx %arg6[%add3A_24] : memref<512xi32, #tpu.memory_space<vmem>>[vector<16xi32>], vector<16xi32>,
    %swap3A_26 = arith.constant 16 : index
    %swap3A_27 = tpu.vector_load %arg8[%swap3A_26] {strides = array<i32>} : memref<256xi32, #tpu.memory_space<vmem>>, vector<16xi32>,
    tpu.vector_store %arg8[%swap3A_26], %gather3A_25 {strides = array<i32>} : memref<256xi32, #tpu.memory_space<vmem>>, vector<16xi32>,
    %add3A_28 = arith.constant 1 : i32
    %add3A_29 = vector.broadcast %add3A_28 : i32 to vector<16xi32>
    %add3A_30 = arith.addi %add3A_24, %add3A_29 : vector<16xi32>
    %gather3A_31 = tpu.vector_load_idx %arg6[%add3A_30] : memref<512xi32, #tpu.memory_space<vmem>>[vector<16xi32>], vector<16xi32>,
    %swap3A_32 = arith.constant 16 : index
    %swap3A_33 = tpu.vector_load %arg10[%swap3A_32] {strides = array<i32>} : memref<256xi32, #tpu.memory_space<vmem>>, vector<16xi32>,
    tpu.vector_store %arg10[%swap3A_32], %gather3A_31 {strides = array<i32>} : memref<256xi32, #tpu.memory_space<vmem>>, vector<16xi32>,
    %add3A_34 = arith.constant 64 : i32
    %add3A_35 = vector.broadcast %add3A_34 : i32 to vector<16xi32>
    %add3A_36 = arith.addi %mul3A_5, %add3A_35 : vector<16xi32>
    %gather3A_37 = tpu.vector_load_idx %arg6[%add3A_36] : memref<512xi32, #tpu.memory_space<vmem>>[vector<16xi32>], vector<16xi32>,
    %swap3A_38 = arith.constant 32 : index
    %swap3A_39 = tpu.vector_load %arg8[%swap3A_38] {strides = array<i32>} : memref<256xi32, #tpu.memory_space<vmem>>, vector<16xi32>,
    tpu.vector_store %arg8[%swap3A_38], %gather3A_37 {strides = array<i32>} : memref<256xi32, #tpu.memory_space<vmem>>, vector<16xi32>,
    %add3A_40 = arith.constant 1 : i32
    %add3A_41 = vector.broadcast %add3A_40 : i32 to vector<16xi32>
    %add3A_42 = arith.addi %add3A_36, %add3A_41 : vector<16xi32>
    %gather3A_43 = tpu.vector_load_idx %arg6[%add3A_42] : memref<512xi32, #tpu.memory_space<vmem>>[vector<16xi32>], vector<16xi32>,
    %swap3A_44 = arith.constant 32 : index
    %swap3A_45 = tpu.vector_load %arg10[%swap3A_44] {strides = array<i32>} : memref<256xi32, #tpu.memory_space<vmem>>, vector<16xi32>,
    tpu.vector_store %arg10[%swap3A_44], %gather3A_43 {strides = array<i32>} : memref<256xi32, #tpu.memory_space<vmem>>, vector<16xi32>,
    %add3A_46 = arith.constant 96 : i32
    %add3A_47 = vector.broadcast %add3A_46 : i32 to vector<16xi32>
    %add3A_48 = arith.addi %mul3A_5, %add3A_47 : vector<16xi32>
    %gather3A_49 = tpu.vector_load_idx %arg6[%add3A_48] : memref<512xi32, #tpu.memory_space<vmem>>[vector<16xi32>], vector<16xi32>,
    %swap3A_50 = arith.constant 48 : index
    %swap3A_51 = tpu.vector_load %arg8[%swap3A_50] {strides = array<i32>} : memref<256xi32, #tpu.memory_space<vmem>>, vector<16xi32>,
    tpu.vector_store %arg8[%swap3A_50], %gather3A_49 {strides = array<i32>} : memref<256xi32, #tpu.memory_space<vmem>>, vector<16xi32>,
    %add3A_52 = arith.constant 1 : i32
    %add3A_53 = vector.broadcast %add3A_52 : i32 to vector<16xi32>
    %add3A_54 = arith.addi %add3A_48, %add3A_53 : vector<16xi32>
    %gather3A_55 = tpu.vector_load_idx %arg6[%add3A_54] : memref<512xi32, #tpu.memory_space<vmem>>[vector<16xi32>], vector<16xi32>,
    %swap3A_56 = arith.constant 48 : index
    %swap3A_57 = tpu.vector_load %arg10[%swap3A_56] {strides = array<i32>} : memref<256xi32, #tpu.memory_space<vmem>>, vector<16xi32>,
    tpu.vector_store %arg10[%swap3A_56], %gather3A_55 {strides = array<i32>} : memref<256xi32, #tpu.memory_space<vmem>>, vector<16xi32>,
    %add3A_58 = arith.constant 128 : i32
    %add3A_59 = vector.broadcast %add3A_58 : i32 to vector<16xi32>
    %add3A_60 = arith.addi %mul3A_5, %add3A_59 : vector<16xi32>
    %gather3A_61 = tpu.vector_load_idx %arg6[%add3A_60] : memref<512xi32, #tpu.memory_space<vmem>>[vector<16xi32>], vector<16xi32>,
    %swap3A_62 = arith.constant 64 : index
    %swap3A_63 = tpu.vector_load %arg8[%swap3A_62] {strides = array<i32>} : memref<256xi32, #tpu.memory_space<vmem>>, vector<16xi32>,
    tpu.vector_store %arg8[%swap3A_62], %gather3A_61 {strides = array<i32>} : memref<256xi32, #tpu.memory_space<vmem>>, vector<16xi32>,
    %add3A_64 = arith.constant 1 : i32
    %add3A_65 = vector.broadcast %add3A_64 : i32 to vector<16xi32>
    %add3A_66 = arith.addi %add3A_60, %add3A_65 : vector<16xi32>
    %gather3A_67 = tpu.vector_load_idx %arg6[%add3A_66] : memref<512xi32, #tpu.memory_space<vmem>>[vector<16xi32>], vector<16xi32>,
    %swap3A_68 = arith.constant 64 : index
    %swap3A_69 = tpu.vector_load %arg10[%swap3A_68] {strides = array<i32>} : memref<256xi32, #tpu.memory_space<vmem>>, vector<16xi32>,
    tpu.vector_store %arg10[%swap3A_68], %gather3A_67 {strides = array<i32>} : memref<256xi32, #tpu.memory_space<vmem>>, vector<16xi32>,
    %add3A_70 = arith.constant 160 : i32
    %add3A_71 = vector.broadcast %add3A_70 : i32 to vector<16xi32>
    %add3A_72 = arith.addi %mul3A_5, %add3A_71 : vector<16xi32>
    %gather3A_73 = tpu.vector_load_idx %arg6[%add3A_72] : memref<512xi32, #tpu.memory_space<vmem>>[vector<16xi32>], vector<16xi32>,
    %swap3A_74 = arith.constant 80 : index
    %swap3A_75 = tpu.vector_load %arg8[%swap3A_74] {strides = array<i32>} : memref<256xi32, #tpu.memory_space<vmem>>, vector<16xi32>,
    tpu.vector_store %arg8[%swap3A_74], %gather3A_73 {strides = array<i32>} : memref<256xi32, #tpu.memory_space<vmem>>, vector<16xi32>,
    %add3A_76 = arith.constant 1 : i32
    %add3A_77 = vector.broadcast %add3A_76 : i32 to vector<16xi32>
    %add3A_78 = arith.addi %add3A_72, %add3A_77 : vector<16xi32>
    %gather3A_79 = tpu.vector_load_idx %arg6[%add3A_78] : memref<512xi32, #tpu.memory_space<vmem>>[vector<16xi32>], vector<16xi32>,
    %swap3A_80 = arith.constant 80 : index
    %swap3A_81 = tpu.vector_load %arg10[%swap3A_80] {strides = array<i32>} : memref<256xi32, #tpu.memory_space<vmem>>, vector<16xi32>,
    tpu.vector_store %arg10[%swap3A_80], %gather3A_79 {strides = array<i32>} : memref<256xi32, #tpu.memory_space<vmem>>, vector<16xi32>,
    %add3A_82 = arith.constant 192 : i32
    %add3A_83 = vector.broadcast %add3A_82 : i32 to vector<16xi32>
    %add3A_84 = arith.addi %mul3A_5, %add3A_83 : vector<16xi32>
    %gather3A_85 = tpu.vector_load_idx %arg6[%add3A_84] : memref<512xi32, #tpu.memory_space<vmem>>[vector<16xi32>], vector<16xi32>,
    %swap3A_86 = arith.constant 96 : index
    %swap3A_87 = tpu.vector_load %arg8[%swap3A_86] {strides = array<i32>} : memref<256xi32, #tpu.memory_space<vmem>>, vector<16xi32>,
    tpu.vector_store %arg8[%swap3A_86], %gather3A_85 {strides = array<i32>} : memref<256xi32, #tpu.memory_space<vmem>>, vector<16xi32>,
    %add3A_88 = arith.constant 1 : i32
    %add3A_89 = vector.broadcast %add3A_88 : i32 to vector<16xi32>
    %add3A_90 = arith.addi %add3A_84, %add3A_89 : vector<16xi32>
    %gather3A_91 = tpu.vector_load_idx %arg6[%add3A_90] : memref<512xi32, #tpu.memory_space<vmem>>[vector<16xi32>], vector<16xi32>,
    %swap3A_92 = arith.constant 96 : index
    %swap3A_93 = tpu.vector_load %arg10[%swap3A_92] {strides = array<i32>} : memref<256xi32, #tpu.memory_space<vmem>>, vector<16xi32>,
    tpu.vector_store %arg10[%swap3A_92], %gather3A_91 {strides = array<i32>} : memref<256xi32, #tpu.memory_space<vmem>>, vector<16xi32>,
    %add3A_94 = arith.constant 224 : i32
    %add3A_95 = vector.broadcast %add3A_94 : i32 to vector<16xi32>
    %add3A_96 = arith.addi %mul3A_5, %add3A_95 : vector<16xi32>
    %gather3A_97 = tpu.vector_load_idx %arg6[%add3A_96] : memref<512xi32, #tpu.memory_space<vmem>>[vector<16xi32>], vector<16xi32>,
    %swap3A_98 = arith.constant 112 : index
    %swap3A_99 = tpu.vector_load %arg8[%swap3A_98] {strides = array<i32>} : memref<256xi32, #tpu.memory_space<vmem>>, vector<16xi32>,
    tpu.vector_store %arg8[%swap3A_98], %gather3A_97 {strides = array<i32>} : memref<256xi32, #tpu.memory_space<vmem>>, vector<16xi32>,
    %add3A_100 = arith.constant 1 : i32
    %add3A_101 = vector.broadcast %add3A_100 : i32 to vector<16xi32>
    %add3A_102 = arith.addi %add3A_96, %add3A_101 : vector<16xi32>
    %gather3A_103 = tpu.vector_load_idx %arg6[%add3A_102] : memref<512xi32, #tpu.memory_space<vmem>>[vector<16xi32>], vector<16xi32>,
    %swap3A_104 = arith.constant 112 : index
    %swap3A_105 = tpu.vector_load %arg10[%swap3A_104] {strides = array<i32>} : memref<256xi32, #tpu.memory_space<vmem>>, vector<16xi32>,
    tpu.vector_store %arg10[%swap3A_104], %gather3A_103 {strides = array<i32>} : memref<256xi32, #tpu.memory_space<vmem>>, vector<16xi32>,
    %add3A_106 = arith.constant 256 : i32
    %add3A_107 = vector.broadcast %add3A_106 : i32 to vector<16xi32>
    %add3A_108 = arith.addi %mul3A_5, %add3A_107 : vector<16xi32>
    %gather3A_109 = tpu.vector_load_idx %arg6[%add3A_108] : memref<512xi32, #tpu.memory_space<vmem>>[vector<16xi32>], vector<16xi32>,
    %swap3A_110 = arith.constant 128 : index
    %swap3A_111 = tpu.vector_load %arg8[%swap3A_110] {strides = array<i32>} : memref<256xi32, #tpu.memory_space<vmem>>, vector<16xi32>,
    tpu.vector_store %arg8[%swap3A_110], %gather3A_109 {strides = array<i32>} : memref<256xi32, #tpu.memory_space<vmem>>, vector<16xi32>,
    %add3A_112 = arith.constant 1 : i32
    %add3A_113 = vector.broadcast %add3A_112 : i32 to vector<16xi32>
    %add3A_114 = arith.addi %add3A_108, %add3A_113 : vector<16xi32>
    %gather3A_115 = tpu.vector_load_idx %arg6[%add3A_114] : memref<512xi32, #tpu.memory_space<vmem>>[vector<16xi32>], vector<16xi32>,
    %swap3A_116 = arith.constant 128 : index
    %swap3A_117 = tpu.vector_load %arg10[%swap3A_116] {strides = array<i32>} : memref<256xi32, #tpu.memory_space<vmem>>, vector<16xi32>,
    tpu.vector_store %arg10[%swap3A_116], %gather3A_115 {strides = array<i32>} : memref<256xi32, #tpu.memory_space<vmem>>, vector<16xi32>,
    %add3A_118 = arith.constant 288 : i32
    %add3A_119 = vector.broadcast %add3A_118 : i32 to vector<16xi32>
    %add3A_120 = arith.addi %mul3A_5, %add3A_119 : vector<16xi32>
    %gather3A_121 = tpu.vector_load_idx %arg6[%add3A_120] : memref<512xi32, #tpu.memory_space<vmem>>[vector<16xi32>], vector<16xi32>,
    %swap3A_122 = arith.constant 144 : index
    %swap3A_123 = tpu.vector_load %arg8[%swap3A_122] {strides = array<i32>} : memref<256xi32, #tpu.memory_space<vmem>>, vector<16xi32>,
    tpu.vector_store %arg8[%swap3A_122], %gather3A_121 {strides = array<i32>} : memref<256xi32, #tpu.memory_space<vmem>>, vector<16xi32>,
    %add3A_124 = arith.constant 1 : i32
    %add3A_125 = vector.broadcast %add3A_124 : i32 to vector<16xi32>
    %add3A_126 = arith.addi %add3A_120, %add3A_125 : vector<16xi32>
    %gather3A_127 = tpu.vector_load_idx %arg6[%add3A_126] : memref<512xi32, #tpu.memory_space<vmem>>[vector<16xi32>], vector<16xi32>,
    %swap3A_128 = arith.constant 144 : index
    %swap3A_129 = tpu.vector_load %arg10[%swap3A_128] {strides = array<i32>} : memref<256xi32, #tpu.memory_space<vmem>>, vector<16xi32>,
    tpu.vector_store %arg10[%swap3A_128], %gather3A_127 {strides = array<i32>} : memref<256xi32, #tpu.memory_space<vmem>>, vector<16xi32>,
    %add3A_130 = arith.constant 320 : i32
    %add3A_131 = vector.broadcast %add3A_130 : i32 to vector<16xi32>
    %add3A_132 = arith.addi %mul3A_5, %add3A_131 : vector<16xi32>
    %gather3A_133 = tpu.vector_load_idx %arg6[%add3A_132] : memref<512xi32, #tpu.memory_space<vmem>>[vector<16xi32>], vector<16xi32>,
    %swap3A_134 = arith.constant 160 : index
    %swap3A_135 = tpu.vector_load %arg8[%swap3A_134] {strides = array<i32>} : memref<256xi32, #tpu.memory_space<vmem>>, vector<16xi32>,
    tpu.vector_store %arg8[%swap3A_134], %gather3A_133 {strides = array<i32>} : memref<256xi32, #tpu.memory_space<vmem>>, vector<16xi32>,
    %add3A_136 = arith.constant 1 : i32
    %add3A_137 = vector.broadcast %add3A_136 : i32 to vector<16xi32>
    %add3A_138 = arith.addi %add3A_132, %add3A_137 : vector<16xi32>
    %gather3A_139 = tpu.vector_load_idx %arg6[%add3A_138] : memref<512xi32, #tpu.memory_space<vmem>>[vector<16xi32>], vector<16xi32>,
    %swap3A_140 = arith.constant 160 : index
    %swap3A_141 = tpu.vector_load %arg10[%swap3A_140] {strides = array<i32>} : memref<256xi32, #tpu.memory_space<vmem>>, vector<16xi32>,
    tpu.vector_store %arg10[%swap3A_140], %gather3A_139 {strides = array<i32>} : memref<256xi32, #tpu.memory_space<vmem>>, vector<16xi32>,
    %add3A_142 = arith.constant 352 : i32
    %add3A_143 = vector.broadcast %add3A_142 : i32 to vector<16xi32>
    %add3A_144 = arith.addi %mul3A_5, %add3A_143 : vector<16xi32>
    %gather3A_145 = tpu.vector_load_idx %arg6[%add3A_144] : memref<512xi32, #tpu.memory_space<vmem>>[vector<16xi32>], vector<16xi32>,
    %swap3A_146 = arith.constant 176 : index
    %swap3A_147 = tpu.vector_load %arg8[%swap3A_146] {strides = array<i32>} : memref<256xi32, #tpu.memory_space<vmem>>, vector<16xi32>,
    tpu.vector_store %arg8[%swap3A_146], %gather3A_145 {strides = array<i32>} : memref<256xi32, #tpu.memory_space<vmem>>, vector<16xi32>,
    %add3A_148 = arith.constant 1 : i32
    %add3A_149 = vector.broadcast %add3A_148 : i32 to vector<16xi32>
    %add3A_150 = arith.addi %add3A_144, %add3A_149 : vector<16xi32>
    %gather3A_151 = tpu.vector_load_idx %arg6[%add3A_150] : memref<512xi32, #tpu.memory_space<vmem>>[vector<16xi32>], vector<16xi32>,
    %swap3A_152 = arith.constant 176 : index
    %swap3A_153 = tpu.vector_load %arg10[%swap3A_152] {strides = array<i32>} : memref<256xi32, #tpu.memory_space<vmem>>, vector<16xi32>,
    tpu.vector_store %arg10[%swap3A_152], %gather3A_151 {strides = array<i32>} : memref<256xi32, #tpu.memory_space<vmem>>, vector<16xi32>,
    %add3A_154 = arith.constant 384 : i32
    %add3A_155 = vector.broadcast %add3A_154 : i32 to vector<16xi32>
    %add3A_156 = arith.addi %mul3A_5, %add3A_155 : vector<16xi32>
    %gather3A_157 = tpu.vector_load_idx %arg6[%add3A_156] : memref<512xi32, #tpu.memory_space<vmem>>[vector<16xi32>], vector<16xi32>,
    %swap3A_158 = arith.constant 192 : index
    %swap3A_159 = tpu.vector_load %arg8[%swap3A_158] {strides = array<i32>} : memref<256xi32, #tpu.memory_space<vmem>>, vector<16xi32>,
    tpu.vector_store %arg8[%swap3A_158], %gather3A_157 {strides = array<i32>} : memref<256xi32, #tpu.memory_space<vmem>>, vector<16xi32>,
    %add3A_160 = arith.constant 1 : i32
    %add3A_161 = vector.broadcast %add3A_160 : i32 to vector<16xi32>
    %add3A_162 = arith.addi %add3A_156, %add3A_161 : vector<16xi32>
    %gather3A_163 = tpu.vector_load_idx %arg6[%add3A_162] : memref<512xi32, #tpu.memory_space<vmem>>[vector<16xi32>], vector<16xi32>,
    %swap3A_164 = arith.constant 192 : index
    %swap3A_165 = tpu.vector_load %arg10[%swap3A_164] {strides = array<i32>} : memref<256xi32, #tpu.memory_space<vmem>>, vector<16xi32>,
    tpu.vector_store %arg10[%swap3A_164], %gather3A_163 {strides = array<i32>} : memref<256xi32, #tpu.memory_space<vmem>>, vector<16xi32>,
    %add3A_166 = arith.constant 416 : i32
    %add3A_167 = vector.broadcast %add3A_166 : i32 to vector<16xi32>
    %add3A_168 = arith.addi %mul3A_5, %add3A_167 : vector<16xi32>
    %gather3A_169 = tpu.vector_load_idx %arg6[%add3A_168] : memref<512xi32, #tpu.memory_space<vmem>>[vector<16xi32>], vector<16xi32>,
    %swap3A_170 = arith.constant 208 : index
    %swap3A_171 = tpu.vector_load %arg8[%swap3A_170] {strides = array<i32>} : memref<256xi32, #tpu.memory_space<vmem>>, vector<16xi32>,
    tpu.vector_store %arg8[%swap3A_170], %gather3A_169 {strides = array<i32>} : memref<256xi32, #tpu.memory_space<vmem>>, vector<16xi32>,
    %add3A_172 = arith.constant 1 : i32
    %add3A_173 = vector.broadcast %add3A_172 : i32 to vector<16xi32>
    %add3A_174 = arith.addi %add3A_168, %add3A_173 : vector<16xi32>
    %gather3A_175 = tpu.vector_load_idx %arg6[%add3A_174] : memref<512xi32, #tpu.memory_space<vmem>>[vector<16xi32>], vector<16xi32>,
    %swap3A_176 = arith.constant 208 : index
    %swap3A_177 = tpu.vector_load %arg10[%swap3A_176] {strides = array<i32>} : memref<256xi32, #tpu.memory_space<vmem>>, vector<16xi32>,
    tpu.vector_store %arg10[%swap3A_176], %gather3A_175 {strides = array<i32>} : memref<256xi32, #tpu.memory_space<vmem>>, vector<16xi32>,
    %add3A_178 = arith.constant 448 : i32
    %add3A_179 = vector.broadcast %add3A_178 : i32 to vector<16xi32>
    %add3A_180 = arith.addi %mul3A_5, %add3A_179 : vector<16xi32>
    %gather3A_181 = tpu.vector_load_idx %arg6[%add3A_180] : memref<512xi32, #tpu.memory_space<vmem>>[vector<16xi32>], vector<16xi32>,
    %swap3A_182 = arith.constant 224 : index
    %swap3A_183 = tpu.vector_load %arg8[%swap3A_182] {strides = array<i32>} : memref<256xi32, #tpu.memory_space<vmem>>, vector<16xi32>,
    tpu.vector_store %arg8[%swap3A_182], %gather3A_181 {strides = array<i32>} : memref<256xi32, #tpu.memory_space<vmem>>, vector<16xi32>,
    %add3A_184 = arith.constant 1 : i32
    %add3A_185 = vector.broadcast %add3A_184 : i32 to vector<16xi32>
    %add3A_186 = arith.addi %add3A_180, %add3A_185 : vector<16xi32>
    %gather3A_187 = tpu.vector_load_idx %arg6[%add3A_186] : memref<512xi32, #tpu.memory_space<vmem>>[vector<16xi32>], vector<16xi32>,
    %swap3A_188 = arith.constant 224 : index
    %swap3A_189 = tpu.vector_load %arg10[%swap3A_188] {strides = array<i32>} : memref<256xi32, #tpu.memory_space<vmem>>, vector<16xi32>,
    tpu.vector_store %arg10[%swap3A_188], %gather3A_187 {strides = array<i32>} : memref<256xi32, #tpu.memory_space<vmem>>, vector<16xi32>,
    %add3A_190 = arith.constant 480 : i32
    %add3A_191 = vector.broadcast %add3A_190 : i32 to vector<16xi32>
    %add3A_192 = arith.addi %mul3A_5, %add3A_191 : vector<16xi32>
    %gather3A_193 = tpu.vector_load_idx %arg6[%add3A_192] : memref<512xi32, #tpu.memory_space<vmem>>[vector<16xi32>], vector<16xi32>,
    %swap3A_194 = arith.constant 240 : index
    %swap3A_195 = tpu.vector_load %arg8[%swap3A_194] {strides = array<i32>} : memref<256xi32, #tpu.memory_space<vmem>>, vector<16xi32>,
    tpu.vector_store %arg8[%swap3A_194], %gather3A_193 {strides = array<i32>} : memref<256xi32, #tpu.memory_space<vmem>>, vector<16xi32>,
    %add3A_196 = arith.constant 1 : i32
    %add3A_197 = vector.broadcast %add3A_196 : i32 to vector<16xi32>
    %add3A_198 = arith.addi %add3A_192, %add3A_197 : vector<16xi32>
    %gather3A_199 = tpu.vector_load_idx %arg6[%add3A_198] : memref<512xi32, #tpu.memory_space<vmem>>[vector<16xi32>], vector<16xi32>,
    %swap3A_200 = arith.constant 240 : index
    %swap3A_201 = tpu.vector_load %arg10[%swap3A_200] {strides = array<i32>} : memref<256xi32, #tpu.memory_space<vmem>>, vector<16xi32>,
    tpu.vector_store %arg10[%swap3A_200], %gather3A_199 {strides = array<i32>} : memref<256xi32, #tpu.memory_space<vmem>>, vector<16xi32>,
    %dma_start3A = arith.constant 0 : i32
    %dma_start3A_202 = arith.constant 0 : i32
    %dma_start3A_203 = tpu.memref_slice %arg2[%dma_start3A, %dma_start3A_202] : memref<1000x128xi32, #tpu.memory_space<hbm>> -> memref<1000x128xi32, #tpu.memory_space<hbm>>
    tpu.enqueue_indirect_dma source(%dma_start3A_203 : memref<1000x128xi32, #tpu.memory_space<hbm>>) target(%arg12 : memref<256x128xi32, #tpu.memory_space<vmem>>) offsets(%arg8 : memref<256xi32, #tpu.memory_space<vmem>>) semaphore(%arg14 : memref<!tpu.dma_semaphore, #tpu.memory_space<semaphore_mem>>)
    %add3A_204 = arith.constant 0 : i32
    %add3A_205 = arith.addi %mul3A_2, %add3A_204 : i32
    %add3A_206 = arith.constant 8192 : i32
    %add3A_207 = arith.addi %add3A_206, %add3A_205 : i32
    %mul3A_208 = arith.constant 2 : i32
    %mul3A_209 = arith.muli %mul3A_208, %add3A_205 : i32
    %run_scoped3A_210 = arith.constant 1 : i32
    "tpu.region"() ({
      %run_scoped3A_421 = tpu.sem_alloc : memref<!tpu.dma_semaphore, #tpu.memory_space<semaphore_mem>>
      %dma_start3A_422 = tpu.memref_slice %arg4[%run_scoped3A_210, %mul3A_209] : memref<50x16384xi32, #tpu.memory_space<hbm>> -> memref<1x512xi32, #tpu.memory_space<hbm>>
      %dma_start3A_423 = tpu.memref_squeeze %dma_start3A_422 : memref<1x512xi32, #tpu.memory_space<hbm>> -> memref<512xi32, #tpu.memory_space<hbm>>
      %dma_start3A_424 = tpu.memref_slice %arg4[%run_scoped3A_210, %mul3A_209] : memref<50x16384xi32, #tpu.memory_space<hbm>> -> memref<1x512xi32, #tpu.memory_space<hbm>>
      %dma_start3A_425 = tpu.memref_squeeze %dma_start3A_424 : memref<1x512xi32, #tpu.memory_space<hbm>> -> memref<512xi32, #tpu.memory_space<hbm>>
      tpu.enqueue_dma source(%dma_start3A_425 : memref<512xi32, #tpu.memory_space<hbm>>) target(%arg7 : memref<512xi32, #tpu.memory_space<vmem>>) target_semaphore(%run_scoped3A_421 : memref<!tpu.dma_semaphore, #tpu.memory_space<semaphore_mem>>)
      %dma_wait3A_426 = tpu.memref_slice %arg4[%run_scoped3A_210, %mul3A_209] : memref<50x16384xi32, #tpu.memory_space<hbm>> -> memref<1x512xi32, #tpu.memory_space<hbm>>
      %dma_wait3A_427 = tpu.memref_squeeze %dma_wait3A_426 : memref<1x512xi32, #tpu.memory_space<hbm>> -> memref<512xi32, #tpu.memory_space<hbm>>
      %dma_wait3A_428 = tpu.memref_slice %arg4[%run_scoped3A_210, %mul3A_209] : memref<50x16384xi32, #tpu.memory_space<hbm>> -> memref<1x512xi32, #tpu.memory_space<hbm>>
      %dma_wait3A_429 = tpu.memref_squeeze %dma_wait3A_428 : memref<1x512xi32, #tpu.memory_space<hbm>> -> memref<512xi32, #tpu.memory_space<hbm>>
      tpu.wait_dma2 semaphore(%run_scoped3A_421 : memref<!tpu.dma_semaphore, #tpu.memory_space<semaphore_mem>>) src(%dma_wait3A_429 : memref<512xi32, #tpu.memory_space<hbm>>) dst(%arg7 : memref<512xi32, #tpu.memory_space<vmem>>)
      tpu.yield
    }) : () -> ()
    %add3A_211 = arith.constant 0 : i32
    %add3A_212 = vector.broadcast %add3A_211 : i32 to vector<16xi32>
    %add3A_213 = arith.addi %mul3A_5, %add3A_212 : vector<16xi32>
    %gather3A_214 = tpu.vector_load_idx %arg7[%add3A_213] : memref<512xi32, #tpu.memory_space<vmem>>[vector<16xi32>], vector<16xi32>,
    %swap3A_215 = arith.constant 0 : index
    %swap3A_216 = tpu.vector_load %arg9[%swap3A_215] {strides = array<i32>} : memref<256xi32, #tpu.memory_space<vmem>>, vector<16xi32>,
    tpu.vector_store %arg9[%swap3A_215], %gather3A_214 {strides = array<i32>} : memref<256xi32, #tpu.memory_space<vmem>>, vector<16xi32>,
    %add3A_217 = arith.constant 1 : i32
    %add3A_218 = vector.broadcast %add3A_217 : i32 to vector<16xi32>
    %add3A_219 = arith.addi %add3A_213, %add3A_218 : vector<16xi32>
    %gather3A_220 = tpu.vector_load_idx %arg7[%add3A_219] : memref<512xi32, #tpu.memory_space<vmem>>[vector<16xi32>], vector<16xi32>,
    %swap3A_221 = arith.constant 0 : index
    %swap3A_222 = tpu.vector_load %arg11[%swap3A_221] {strides = array<i32>} : memref<256xi32, #tpu.memory_space<vmem>>, vector<16xi32>,
    tpu.vector_store %arg11[%swap3A_221], %gather3A_220 {strides = array<i32>} : memref<256xi32, #tpu.memory_space<vmem>>, vector<16xi32>,
    %add3A_223 = arith.constant 32 : i32
    %add3A_224 = vector.broadcast %add3A_223 : i32 to vector<16xi32>
    %add3A_225 = arith.addi %mul3A_5, %add3A_224 : vector<16xi32>
    %gather3A_226 = tpu.vector_load_idx %arg7[%add3A_225] : memref<512xi32, #tpu.memory_space<vmem>>[vector<16xi32>], vector<16xi32>,
    %swap3A_227 = arith.constant 16 : index
    %swap3A_228 = tpu.vector_load %arg9[%swap3A_227] {strides = array<i32>} : memref<256xi32, #tpu.memory_space<vmem>>, vector<16xi32>,
    tpu.vector_store %arg9[%swap3A_227], %gather3A_226 {strides = array<i32>} : memref<256xi32, #tpu.memory_space<vmem>>, vector<16xi32>,
    %add3A_229 = arith.constant 1 : i32
    %add3A_230 = vector.broadcast %add3A_229 : i32 to vector<16xi32>
    %add3A_231 = arith.addi %add3A_225, %add3A_230 : vector<16xi32>
    %gather3A_232 = tpu.vector_load_idx %arg7[%add3A_231] : memref<512xi32, #tpu.memory_space<vmem>>[vector<16xi32>], vector<16xi32>,
    %swap3A_233 = arith.constant 16 : index
    %swap3A_234 = tpu.vector_load %arg11[%swap3A_233] {strides = array<i32>} : memref<256xi32, #tpu.memory_space<vmem>>, vector<16xi32>,
    tpu.vector_store %arg11[%swap3A_233], %gather3A_232 {strides = array<i32>} : memref<256xi32, #tpu.memory_space<vmem>>, vector<16xi32>,
    %add3A_235 = arith.constant 64 : i32
    %add3A_236 = vector.broadcast %add3A_235 : i32 to vector<16xi32>
    %add3A_237 = arith.addi %mul3A_5, %add3A_236 : vector<16xi32>
    %gather3A_238 = tpu.vector_load_idx %arg7[%add3A_237] : memref<512xi32, #tpu.memory_space<vmem>>[vector<16xi32>], vector<16xi32>,
    %swap3A_239 = arith.constant 32 : index
    %swap3A_240 = tpu.vector_load %arg9[%swap3A_239] {strides = array<i32>} : memref<256xi32, #tpu.memory_space<vmem>>, vector<16xi32>,
    tpu.vector_store %arg9[%swap3A_239], %gather3A_238 {strides = array<i32>} : memref<256xi32, #tpu.memory_space<vmem>>, vector<16xi32>,
    %add3A_241 = arith.constant 1 : i32
    %add3A_242 = vector.broadcast %add3A_241 : i32 to vector<16xi32>
    %add3A_243 = arith.addi %add3A_237, %add3A_242 : vector<16xi32>
    %gather3A_244 = tpu.vector_load_idx %arg7[%add3A_243] : memref<512xi32, #tpu.memory_space<vmem>>[vector<16xi32>], vector<16xi32>,
    %swap3A_245 = arith.constant 32 : index
    %swap3A_246 = tpu.vector_load %arg11[%swap3A_245] {strides = array<i32>} : memref<256xi32, #tpu.memory_space<vmem>>, vector<16xi32>,
    tpu.vector_store %arg11[%swap3A_245], %gather3A_244 {strides = array<i32>} : memref<256xi32, #tpu.memory_space<vmem>>, vector<16xi32>,
    %add3A_247 = arith.constant 96 : i32
    %add3A_248 = vector.broadcast %add3A_247 : i32 to vector<16xi32>
    %add3A_249 = arith.addi %mul3A_5, %add3A_248 : vector<16xi32>
    %gather3A_250 = tpu.vector_load_idx %arg7[%add3A_249] : memref<512xi32, #tpu.memory_space<vmem>>[vector<16xi32>], vector<16xi32>,
    %swap3A_251 = arith.constant 48 : index
    %swap3A_252 = tpu.vector_load %arg9[%swap3A_251] {strides = array<i32>} : memref<256xi32, #tpu.memory_space<vmem>>, vector<16xi32>,
    tpu.vector_store %arg9[%swap3A_251], %gather3A_250 {strides = array<i32>} : memref<256xi32, #tpu.memory_space<vmem>>, vector<16xi32>,
    %add3A_253 = arith.constant 1 : i32
    %add3A_254 = vector.broadcast %add3A_253 : i32 to vector<16xi32>
    %add3A_255 = arith.addi %add3A_249, %add3A_254 : vector<16xi32>
    %gather3A_256 = tpu.vector_load_idx %arg7[%add3A_255] : memref<512xi32, #tpu.memory_space<vmem>>[vector<16xi32>], vector<16xi32>,
    %swap3A_257 = arith.constant 48 : index
    %swap3A_258 = tpu.vector_load %arg11[%swap3A_257] {strides = array<i32>} : memref<256xi32, #tpu.memory_space<vmem>>, vector<16xi32>,
    tpu.vector_store %arg11[%swap3A_257], %gather3A_256 {strides = array<i32>} : memref<256xi32, #tpu.memory_space<vmem>>, vector<16xi32>,
    %add3A_259 = arith.constant 128 : i32
    %add3A_260 = vector.broadcast %add3A_259 : i32 to vector<16xi32>
    %add3A_261 = arith.addi %mul3A_5, %add3A_260 : vector<16xi32>
    %gather3A_262 = tpu.vector_load_idx %arg7[%add3A_261] : memref<512xi32, #tpu.memory_space<vmem>>[vector<16xi32>], vector<16xi32>,
    %swap3A_263 = arith.constant 64 : index
    %swap3A_264 = tpu.vector_load %arg9[%swap3A_263] {strides = array<i32>} : memref<256xi32, #tpu.memory_space<vmem>>, vector<16xi32>,
    tpu.vector_store %arg9[%swap3A_263], %gather3A_262 {strides = array<i32>} : memref<256xi32, #tpu.memory_space<vmem>>, vector<16xi32>,
    %add3A_265 = arith.constant 1 : i32
    %add3A_266 = vector.broadcast %add3A_265 : i32 to vector<16xi32>
    %add3A_267 = arith.addi %add3A_261, %add3A_266 : vector<16xi32>
    %gather3A_268 = tpu.vector_load_idx %arg7[%add3A_267] : memref<512xi32, #tpu.memory_space<vmem>>[vector<16xi32>], vector<16xi32>,
    %swap3A_269 = arith.constant 64 : index
    %swap3A_270 = tpu.vector_load %arg11[%swap3A_269] {strides = array<i32>} : memref<256xi32, #tpu.memory_space<vmem>>, vector<16xi32>,
    tpu.vector_store %arg11[%swap3A_269], %gather3A_268 {strides = array<i32>} : memref<256xi32, #tpu.memory_space<vmem>>, vector<16xi32>,
    %add3A_271 = arith.constant 160 : i32
    %add3A_272 = vector.broadcast %add3A_271 : i32 to vector<16xi32>
    %add3A_273 = arith.addi %mul3A_5, %add3A_272 : vector<16xi32>
    %gather3A_274 = tpu.vector_load_idx %arg7[%add3A_273] : memref<512xi32, #tpu.memory_space<vmem>>[vector<16xi32>], vector<16xi32>,
    %swap3A_275 = arith.constant 80 : index
    %swap3A_276 = tpu.vector_load %arg9[%swap3A_275] {strides = array<i32>} : memref<256xi32, #tpu.memory_space<vmem>>, vector<16xi32>,
    tpu.vector_store %arg9[%swap3A_275], %gather3A_274 {strides = array<i32>} : memref<256xi32, #tpu.memory_space<vmem>>, vector<16xi32>,
    %add3A_277 = arith.constant 1 : i32
    %add3A_278 = vector.broadcast %add3A_277 : i32 to vector<16xi32>
    %add3A_279 = arith.addi %add3A_273, %add3A_278 : vector<16xi32>
    %gather3A_280 = tpu.vector_load_idx %arg7[%add3A_279] : memref<512xi32, #tpu.memory_space<vmem>>[vector<16xi32>], vector<16xi32>,
    %swap3A_281 = arith.constant 80 : index
    %swap3A_282 = tpu.vector_load %arg11[%swap3A_281] {strides = array<i32>} : memref<256xi32, #tpu.memory_space<vmem>>, vector<16xi32>,
    tpu.vector_store %arg11[%swap3A_281], %gather3A_280 {strides = array<i32>} : memref<256xi32, #tpu.memory_space<vmem>>, vector<16xi32>,
    %add3A_283 = arith.constant 192 : i32
    %add3A_284 = vector.broadcast %add3A_283 : i32 to vector<16xi32>
    %add3A_285 = arith.addi %mul3A_5, %add3A_284 : vector<16xi32>
    %gather3A_286 = tpu.vector_load_idx %arg7[%add3A_285] : memref<512xi32, #tpu.memory_space<vmem>>[vector<16xi32>], vector<16xi32>,
    %swap3A_287 = arith.constant 96 : index
    %swap3A_288 = tpu.vector_load %arg9[%swap3A_287] {strides = array<i32>} : memref<256xi32, #tpu.memory_space<vmem>>, vector<16xi32>,
    tpu.vector_store %arg9[%swap3A_287], %gather3A_286 {strides = array<i32>} : memref<256xi32, #tpu.memory_space<vmem>>, vector<16xi32>,
    %add3A_289 = arith.constant 1 : i32
    %add3A_290 = vector.broadcast %add3A_289 : i32 to vector<16xi32>
    %add3A_291 = arith.addi %add3A_285, %add3A_290 : vector<16xi32>
    %gather3A_292 = tpu.vector_load_idx %arg7[%add3A_291] : memref<512xi32, #tpu.memory_space<vmem>>[vector<16xi32>], vector<16xi32>,
    %swap3A_293 = arith.constant 96 : index
    %swap3A_294 = tpu.vector_load %arg11[%swap3A_293] {strides = array<i32>} : memref<256xi32, #tpu.memory_space<vmem>>, vector<16xi32>,
    tpu.vector_store %arg11[%swap3A_293], %gather3A_292 {strides = array<i32>} : memref<256xi32, #tpu.memory_space<vmem>>, vector<16xi32>,
    %add3A_295 = arith.constant 224 : i32
    %add3A_296 = vector.broadcast %add3A_295 : i32 to vector<16xi32>
    %add3A_297 = arith.addi %mul3A_5, %add3A_296 : vector<16xi32>
    %gather3A_298 = tpu.vector_load_idx %arg7[%add3A_297] : memref<512xi32, #tpu.memory_space<vmem>>[vector<16xi32>], vector<16xi32>,
    %swap3A_299 = arith.constant 112 : index
    %swap3A_300 = tpu.vector_load %arg9[%swap3A_299] {strides = array<i32>} : memref<256xi32, #tpu.memory_space<vmem>>, vector<16xi32>,
    tpu.vector_store %arg9[%swap3A_299], %gather3A_298 {strides = array<i32>} : memref<256xi32, #tpu.memory_space<vmem>>, vector<16xi32>,
    %add3A_301 = arith.constant 1 : i32
    %add3A_302 = vector.broadcast %add3A_301 : i32 to vector<16xi32>
    %add3A_303 = arith.addi %add3A_297, %add3A_302 : vector<16xi32>
    %gather3A_304 = tpu.vector_load_idx %arg7[%add3A_303] : memref<512xi32, #tpu.memory_space<vmem>>[vector<16xi32>], vector<16xi32>,
    %swap3A_305 = arith.constant 112 : index
    %swap3A_306 = tpu.vector_load %arg11[%swap3A_305] {strides = array<i32>} : memref<256xi32, #tpu.memory_space<vmem>>, vector<16xi32>,
    tpu.vector_store %arg11[%swap3A_305], %gather3A_304 {strides = array<i32>} : memref<256xi32, #tpu.memory_space<vmem>>, vector<16xi32>,
    %add3A_307 = arith.constant 256 : i32
    %add3A_308 = vector.broadcast %add3A_307 : i32 to vector<16xi32>
    %add3A_309 = arith.addi %mul3A_5, %add3A_308 : vector<16xi32>
    %gather3A_310 = tpu.vector_load_idx %arg7[%add3A_309] : memref<512xi32, #tpu.memory_space<vmem>>[vector<16xi32>], vector<16xi32>,
    %swap3A_311 = arith.constant 128 : index
    %swap3A_312 = tpu.vector_load %arg9[%swap3A_311] {strides = array<i32>} : memref<256xi32, #tpu.memory_space<vmem>>, vector<16xi32>,
    tpu.vector_store %arg9[%swap3A_311], %gather3A_310 {strides = array<i32>} : memref<256xi32, #tpu.memory_space<vmem>>, vector<16xi32>,
    %add3A_313 = arith.constant 1 : i32
    %add3A_314 = vector.broadcast %add3A_313 : i32 to vector<16xi32>
    %add3A_315 = arith.addi %add3A_309, %add3A_314 : vector<16xi32>
    %gather3A_316 = tpu.vector_load_idx %arg7[%add3A_315] : memref<512xi32, #tpu.memory_space<vmem>>[vector<16xi32>], vector<16xi32>,
    %swap3A_317 = arith.constant 128 : index
    %swap3A_318 = tpu.vector_load %arg11[%swap3A_317] {strides = array<i32>} : memref<256xi32, #tpu.memory_space<vmem>>, vector<16xi32>,
    tpu.vector_store %arg11[%swap3A_317], %gather3A_316 {strides = array<i32>} : memref<256xi32, #tpu.memory_space<vmem>>, vector<16xi32>,
    %add3A_319 = arith.constant 288 : i32
    %add3A_320 = vector.broadcast %add3A_319 : i32 to vector<16xi32>
    %add3A_321 = arith.addi %mul3A_5, %add3A_320 : vector<16xi32>
    %gather3A_322 = tpu.vector_load_idx %arg7[%add3A_321] : memref<512xi32, #tpu.memory_space<vmem>>[vector<16xi32>], vector<16xi32>,
    %swap3A_323 = arith.constant 144 : index
    %swap3A_324 = tpu.vector_load %arg9[%swap3A_323] {strides = array<i32>} : memref<256xi32, #tpu.memory_space<vmem>>, vector<16xi32>,
    tpu.vector_store %arg9[%swap3A_323], %gather3A_322 {strides = array<i32>} : memref<256xi32, #tpu.memory_space<vmem>>, vector<16xi32>,
    %add3A_325 = arith.constant 1 : i32
    %add3A_326 = vector.broadcast %add3A_325 : i32 to vector<16xi32>
    %add3A_327 = arith.addi %add3A_321, %add3A_326 : vector<16xi32>
    %gather3A_328 = tpu.vector_load_idx %arg7[%add3A_327] : memref<512xi32, #tpu.memory_space<vmem>>[vector<16xi32>], vector<16xi32>,
    %swap3A_329 = arith.constant 144 : index
    %swap3A_330 = tpu.vector_load %arg11[%swap3A_329] {strides = array<i32>} : memref<256xi32, #tpu.memory_space<vmem>>, vector<16xi32>,
    tpu.vector_store %arg11[%swap3A_329], %gather3A_328 {strides = array<i32>} : memref<256xi32, #tpu.memory_space<vmem>>, vector<16xi32>,
    %add3A_331 = arith.constant 320 : i32
    %add3A_332 = vector.broadcast %add3A_331 : i32 to vector<16xi32>
    %add3A_333 = arith.addi %mul3A_5, %add3A_332 : vector<16xi32>
    %gather3A_334 = tpu.vector_load_idx %arg7[%add3A_333] : memref<512xi32, #tpu.memory_space<vmem>>[vector<16xi32>], vector<16xi32>,
    %swap3A_335 = arith.constant 160 : index
    %swap3A_336 = tpu.vector_load %arg9[%swap3A_335] {strides = array<i32>} : memref<256xi32, #tpu.memory_space<vmem>>, vector<16xi32>,
    tpu.vector_store %arg9[%swap3A_335], %gather3A_334 {strides = array<i32>} : memref<256xi32, #tpu.memory_space<vmem>>, vector<16xi32>,
    %add3A_337 = arith.constant 1 : i32
    %add3A_338 = vector.broadcast %add3A_337 : i32 to vector<16xi32>
    %add3A_339 = arith.addi %add3A_333, %add3A_338 : vector<16xi32>
    %gather3A_340 = tpu.vector_load_idx %arg7[%add3A_339] : memref<512xi32, #tpu.memory_space<vmem>>[vector<16xi32>], vector<16xi32>,
    %swap3A_341 = arith.constant 160 : index
    %swap3A_342 = tpu.vector_load %arg11[%swap3A_341] {strides = array<i32>} : memref<256xi32, #tpu.memory_space<vmem>>, vector<16xi32>,
    tpu.vector_store %arg11[%swap3A_341], %gather3A_340 {strides = array<i32>} : memref<256xi32, #tpu.memory_space<vmem>>, vector<16xi32>,
    %add3A_343 = arith.constant 352 : i32
    %add3A_344 = vector.broadcast %add3A_343 : i32 to vector<16xi32>
    %add3A_345 = arith.addi %mul3A_5, %add3A_344 : vector<16xi32>
    %gather3A_346 = tpu.vector_load_idx %arg7[%add3A_345] : memref<512xi32, #tpu.memory_space<vmem>>[vector<16xi32>], vector<16xi32>,
    %swap3A_347 = arith.constant 176 : index
    %swap3A_348 = tpu.vector_load %arg9[%swap3A_347] {strides = array<i32>} : memref<256xi32, #tpu.memory_space<vmem>>, vector<16xi32>,
    tpu.vector_store %arg9[%swap3A_347], %gather3A_346 {strides = array<i32>} : memref<256xi32, #tpu.memory_space<vmem>>, vector<16xi32>,
    %add3A_349 = arith.constant 1 : i32
    %add3A_350 = vector.broadcast %add3A_349 : i32 to vector<16xi32>
    %add3A_351 = arith.addi %add3A_345, %add3A_350 : vector<16xi32>
    %gather3A_352 = tpu.vector_load_idx %arg7[%add3A_351] : memref<512xi32, #tpu.memory_space<vmem>>[vector<16xi32>], vector<16xi32>,
    %swap3A_353 = arith.constant 176 : index
    %swap3A_354 = tpu.vector_load %arg11[%swap3A_353] {strides = array<i32>} : memref<256xi32, #tpu.memory_space<vmem>>, vector<16xi32>,
    tpu.vector_store %arg11[%swap3A_353], %gather3A_352 {strides = array<i32>} : memref<256xi32, #tpu.memory_space<vmem>>, vector<16xi32>,
    %add3A_355 = arith.constant 384 : i32
    %add3A_356 = vector.broadcast %add3A_355 : i32 to vector<16xi32>
    %add3A_357 = arith.addi %mul3A_5, %add3A_356 : vector<16xi32>
    %gather3A_358 = tpu.vector_load_idx %arg7[%add3A_357] : memref<512xi32, #tpu.memory_space<vmem>>[vector<16xi32>], vector<16xi32>,
    %swap3A_359 = arith.constant 192 : index
    %swap3A_360 = tpu.vector_load %arg9[%swap3A_359] {strides = array<i32>} : memref<256xi32, #tpu.memory_space<vmem>>, vector<16xi32>,
    tpu.vector_store %arg9[%swap3A_359], %gather3A_358 {strides = array<i32>} : memref<256xi32, #tpu.memory_space<vmem>>, vector<16xi32>,
    %add3A_361 = arith.constant 1 : i32
    %add3A_362 = vector.broadcast %add3A_361 : i32 to vector<16xi32>
    %add3A_363 = arith.addi %add3A_357, %add3A_362 : vector<16xi32>
    %gather3A_364 = tpu.vector_load_idx %arg7[%add3A_363] : memref<512xi32, #tpu.memory_space<vmem>>[vector<16xi32>], vector<16xi32>,
    %swap3A_365 = arith.constant 192 : index
    %swap3A_366 = tpu.vector_load %arg11[%swap3A_365] {strides = array<i32>} : memref<256xi32, #tpu.memory_space<vmem>>, vector<16xi32>,
    tpu.vector_store %arg11[%swap3A_365], %gather3A_364 {strides = array<i32>} : memref<256xi32, #tpu.memory_space<vmem>>, vector<16xi32>,
    %add3A_367 = arith.constant 416 : i32
    %add3A_368 = vector.broadcast %add3A_367 : i32 to vector<16xi32>
    %add3A_369 = arith.addi %mul3A_5, %add3A_368 : vector<16xi32>
    %gather3A_370 = tpu.vector_load_idx %arg7[%add3A_369] : memref<512xi32, #tpu.memory_space<vmem>>[vector<16xi32>], vector<16xi32>,
    %swap3A_371 = arith.constant 208 : index
    %swap3A_372 = tpu.vector_load %arg9[%swap3A_371] {strides = array<i32>} : memref<256xi32, #tpu.memory_space<vmem>>, vector<16xi32>,
    tpu.vector_store %arg9[%swap3A_371], %gather3A_370 {strides = array<i32>} : memref<256xi32, #tpu.memory_space<vmem>>, vector<16xi32>,
    %add3A_373 = arith.constant 1 : i32
    %add3A_374 = vector.broadcast %add3A_373 : i32 to vector<16xi32>
    %add3A_375 = arith.addi %add3A_369, %add3A_374 : vector<16xi32>
    %gather3A_376 = tpu.vector_load_idx %arg7[%add3A_375] : memref<512xi32, #tpu.memory_space<vmem>>[vector<16xi32>], vector<16xi32>,
    %swap3A_377 = arith.constant 208 : index
    %swap3A_378 = tpu.vector_load %arg11[%swap3A_377] {strides = array<i32>} : memref<256xi32, #tpu.memory_space<vmem>>, vector<16xi32>,
    tpu.vector_store %arg11[%swap3A_377], %gather3A_376 {strides = array<i32>} : memref<256xi32, #tpu.memory_space<vmem>>, vector<16xi32>,
    %add3A_379 = arith.constant 448 : i32
    %add3A_380 = vector.broadcast %add3A_379 : i32 to vector<16xi32>
    %add3A_381 = arith.addi %mul3A_5, %add3A_380 : vector<16xi32>
    %gather3A_382 = tpu.vector_load_idx %arg7[%add3A_381] : memref<512xi32, #tpu.memory_space<vmem>>[vector<16xi32>], vector<16xi32>,
    %swap3A_383 = arith.constant 224 : index
    %swap3A_384 = tpu.vector_load %arg9[%swap3A_383] {strides = array<i32>} : memref<256xi32, #tpu.memory_space<vmem>>, vector<16xi32>,
    tpu.vector_store %arg9[%swap3A_383], %gather3A_382 {strides = array<i32>} : memref<256xi32, #tpu.memory_space<vmem>>, vector<16xi32>,
    %add3A_385 = arith.constant 1 : i32
    %add3A_386 = vector.broadcast %add3A_385 : i32 to vector<16xi32>
    %add3A_387 = arith.addi %add3A_381, %add3A_386 : vector<16xi32>
    %gather3A_388 = tpu.vector_load_idx %arg7[%add3A_387] : memref<512xi32, #tpu.memory_space<vmem>>[vector<16xi32>], vector<16xi32>,
    %swap3A_389 = arith.constant 224 : index
    %swap3A_390 = tpu.vector_load %arg11[%swap3A_389] {strides = array<i32>} : memref<256xi32, #tpu.memory_space<vmem>>, vector<16xi32>,
    tpu.vector_store %arg11[%swap3A_389], %gather3A_388 {strides = array<i32>} : memref<256xi32, #tpu.memory_space<vmem>>, vector<16xi32>,
    %add3A_391 = arith.constant 480 : i32
    %add3A_392 = vector.broadcast %add3A_391 : i32 to vector<16xi32>
    %add3A_393 = arith.addi %mul3A_5, %add3A_392 : vector<16xi32>
    %gather3A_394 = tpu.vector_load_idx %arg7[%add3A_393] : memref<512xi32, #tpu.memory_space<vmem>>[vector<16xi32>], vector<16xi32>,
    %swap3A_395 = arith.constant 240 : index
    %swap3A_396 = tpu.vector_load %arg9[%swap3A_395] {strides = array<i32>} : memref<256xi32, #tpu.memory_space<vmem>>, vector<16xi32>,
    tpu.vector_store %arg9[%swap3A_395], %gather3A_394 {strides = array<i32>} : memref<256xi32, #tpu.memory_space<vmem>>, vector<16xi32>,
    %add3A_397 = arith.constant 1 : i32
    %add3A_398 = vector.broadcast %add3A_397 : i32 to vector<16xi32>
    %add3A_399 = arith.addi %add3A_393, %add3A_398 : vector<16xi32>
    %gather3A_400 = tpu.vector_load_idx %arg7[%add3A_399] : memref<512xi32, #tpu.memory_space<vmem>>[vector<16xi32>], vector<16xi32>,
    %swap3A_401 = arith.constant 240 : index
    %swap3A_402 = tpu.vector_load %arg11[%swap3A_401] {strides = array<i32>} : memref<256xi32, #tpu.memory_space<vmem>>, vector<16xi32>,
    tpu.vector_store %arg11[%swap3A_401], %gather3A_400 {strides = array<i32>} : memref<256xi32, #tpu.memory_space<vmem>>, vector<16xi32>,
    %dma_start3A_403 = arith.constant 0 : i32
    %dma_start3A_404 = arith.constant 0 : i32
    %dma_start3A_405 = tpu.memref_slice %arg2[%dma_start3A_403, %dma_start3A_404] : memref<1000x128xi32, #tpu.memory_space<hbm>> -> memref<1000x128xi32, #tpu.memory_space<hbm>>
    tpu.enqueue_indirect_dma source(%dma_start3A_405 : memref<1000x128xi32, #tpu.memory_space<hbm>>) target(%arg13 : memref<256x128xi32, #tpu.memory_space<vmem>>) offsets(%arg9 : memref<256xi32, #tpu.memory_space<vmem>>) semaphore(%arg15 : memref<!tpu.dma_semaphore, #tpu.memory_space<semaphore_mem>>)
    %dma_wait3A = tpu.memref_bitcast %arg5 : memref<819200x128xbf16, #tpu.memory_space<hbm>> -> memref<409600x128xi32, #tpu.memory_space<hbm>>
    %dma_wait3A_406 = arith.constant 0 : i32
    %dma_wait3A_407 = arith.constant 0 : i32
    %dma_wait3A_408 = tpu.memref_slice %dma_wait3A[%dma_wait3A_406, %dma_wait3A_407] : memref<409600x128xi32, #tpu.memory_space<hbm>> -> memref<256x128xi32, #tpu.memory_space<hbm>>
    %dma_wait3A_409 = tpu.memref_bitcast %arg5 : memref<819200x128xbf16, #tpu.memory_space<hbm>> -> memref<409600x128xi32, #tpu.memory_space<hbm>>
    %dma_wait3A_410 = arith.constant 0 : i32
    %dma_wait3A_411 = arith.constant 0 : i32
    %dma_wait3A_412 = tpu.memref_slice %dma_wait3A_409[%dma_wait3A_410, %dma_wait3A_411] : memref<409600x128xi32, #tpu.memory_space<hbm>> -> memref<256x128xi32, #tpu.memory_space<hbm>>
    tpu.wait_dma2 semaphore(%arg14 : memref<!tpu.dma_semaphore, #tpu.memory_space<semaphore_mem>>) src(%dma_wait3A_412 : memref<256x128xi32, #tpu.memory_space<hbm>>) dst(%arg12 : memref<256x128xi32, #tpu.memory_space<vmem>>)
    %dma_start3A_413 = arith.constant 0 : i32
    %dma_start3A_414 = arith.constant 0 : i32
    %dma_start3A_415 = tpu.memref_slice %arg3[%dma_start3A_413, %dma_start3A_414] : memref<1000x128xi32, #tpu.memory_space<hbm>> -> memref<1000x128xi32, #tpu.memory_space<hbm>>
    tpu.enqueue_indirect_dma source(%dma_start3A_415 : memref<1000x128xi32, #tpu.memory_space<hbm>>) target(%arg12 : memref<256x128xi32, #tpu.memory_space<vmem>>) offsets(%arg10 : memref<256xi32, #tpu.memory_space<vmem>>) semaphore(%arg16 : memref<!tpu.dma_semaphore, #tpu.memory_space<semaphore_mem>>) {add = true}
    %scan3A = arith.constant 0 : i32
    %scan3A_416 = arith.constant 0 : i32
    %scan3A_417 = arith.constant 25 : i32
    %scan3A_418 = arith.addi %scan3A_416, %scan3A_417 : i32
    %scan3A_419 = arith.constant 1 : i32
    scf.for %scan3A_421 = %scan3A_416 to %scan3A_418 step %scan3A_419  : i32 {
      %mul3A_422 = arith.constant 2 : i32
      %mul3A_423 = arith.muli %scan3A_421, %mul3A_422 : i32
      %add3A_424 = arith.constant 0 : i32
      %add3A_425 = arith.addi %mul3A_423, %add3A_424 : i32
      %dma_wait3A_426 = tpu.memref_bitcast %arg5 : memref<819200x128xbf16, #tpu.memory_space<hbm>> -> memref<409600x128xi32, #tpu.memory_space<hbm>>
      %dma_wait3A_427 = arith.constant 0 : i32
      %dma_wait3A_428 = arith.constant 0 : i32
      %dma_wait3A_429 = tpu.memref_slice %dma_wait3A_426[%dma_wait3A_427, %dma_wait3A_428] : memref<409600x128xi32, #tpu.memory_space<hbm>> -> memref<256x128xi32, #tpu.memory_space<hbm>>
      %dma_wait3A_430 = tpu.memref_bitcast %arg5 : memref<819200x128xbf16, #tpu.memory_space<hbm>> -> memref<409600x128xi32, #tpu.memory_space<hbm>>
      %dma_wait3A_431 = arith.constant 0 : i32
      %dma_wait3A_432 = arith.constant 0 : i32
      %dma_wait3A_433 = tpu.memref_slice %dma_wait3A_430[%dma_wait3A_431, %dma_wait3A_432] : memref<409600x128xi32, #tpu.memory_space<hbm>> -> memref<256x128xi32, #tpu.memory_space<hbm>>
      tpu.wait_dma2 semaphore(%arg16 : memref<!tpu.dma_semaphore, #tpu.memory_space<semaphore_mem>>) src(%dma_wait3A_433 : memref<256x128xi32, #tpu.memory_space<hbm>>) dst(%arg12 : memref<256x128xi32, #tpu.memory_space<vmem>>)
      %jit3A = arith.constant 1 : i32
      %div3A = arith.divsi %add3A_425, %jit3A : i32
      %sign3A = arith.constant 0 : i32
      %sign3A_434 = arith.cmpi sgt, %add3A_425, %sign3A : i32
      %sign3A_435 = arith.extui %sign3A_434 : i1 to i32
      %sign3A_436 = arith.constant 0 : i32
      %sign3A_437 = arith.cmpi slt, %add3A_425, %sign3A_436 : i32
      %sign3A_438 = arith.extui %sign3A_437 : i1 to i32
      %sign3A_439 = arith.subi %sign3A_435, %sign3A_438 : i32
      %sign3A_440 = arith.constant 0 : i32
      %sign3A_441 = arith.cmpi sgt, %jit3A, %sign3A_440 : i32
      %sign3A_442 = arith.extui %sign3A_441 : i1 to i32
      %sign3A_443 = arith.constant 0 : i32
      %sign3A_444 = arith.cmpi slt, %jit3A, %sign3A_443 : i32
      %sign3A_445 = arith.extui %sign3A_444 : i1 to i32
      %sign3A_446 = arith.subi %sign3A_442, %sign3A_445 : i32
      %ne3A = arith.cmpi ne, %sign3A_439, %sign3A_446 : i32
      %rem3A = arith.remsi %add3A_425, %jit3A : i32
      %ne3A_447 = arith.constant 0 : i32
      %ne3A_448 = arith.cmpi ne, %rem3A, %ne3A_447 : i32
      %and3A = arith.andi %ne3A, %ne3A_448 : i1
      %sub3A = arith.constant 1 : i32
      %sub3A_449 = arith.subi %div3A, %sub3A : i32
      %select_n3A = arith.select %and3A, %sub3A_449, %div3A : i32
      %jit3A_450 = arith.constant 1 : i32
      %eq3A = arith.constant 0 : i32
      %eq3A_451 = arith.cmpi eq, %jit3A_450, %eq3A : i32
      %jit3A_452 = arith.constant 1 : i32
      %select_n3A_453 = arith.select %eq3A_451, %jit3A_452, %jit3A_450 : i32
      %rem3A_454 = arith.remsi %add3A_425, %select_n3A_453 : i32
      %ne3A_455 = arith.constant 0 : i32
      %ne3A_456 = arith.cmpi ne, %rem3A_454, %ne3A_455 : i32
      %lt3A = arith.constant 0 : i32
      %lt3A_457 = arith.cmpi slt, %rem3A_454, %lt3A : i32
      %lt3A_458 = arith.constant 0 : i32
      %lt3A_459 = arith.cmpi slt, %select_n3A_453, %lt3A_458 : i32
      %ne3A_460 = arith.xori %lt3A_457, %lt3A_459 : i1
      %and3A_461 = arith.andi %ne3A_460, %ne3A_456 : i1
      %add3A_462 = arith.addi %rem3A_454, %select_n3A_453 : i32
      %select_n3A_463 = arith.select %and3A_461, %add3A_462, %rem3A_454 : i32
      %mul3A_464 = arith.constant 256 : i32
      %mul3A_465 = arith.muli %select_n3A_463, %mul3A_464 : i32
      %add3A_466 = arith.addi %mul3A_2, %mul3A_465 : i32
      %mul3A_467 = arith.constant 8192 : i32
      %mul3A_468 = arith.muli %select_n3A, %mul3A_467 : i32
      %add3A_469 = arith.addi %mul3A_468, %add3A_466 : i32
      "tpu.region"() ({
        %run_scoped3A_546 = tpu.sem_alloc : memref<!tpu.dma_semaphore, #tpu.memory_space<semaphore_mem>>
        %dma_start3A_547 = tpu.memref_bitcast %arg5 : memref<819200x128xbf16, #tpu.memory_space<hbm>> -> memref<409600x128xi32, #tpu.memory_space<hbm>>
        %dma_start3A_548 = arith.constant 0 : i32
        %dma_start3A_549 = tpu.memref_slice %dma_start3A_547[%add3A_469, %dma_start3A_548] : memref<409600x128xi32, #tpu.memory_space<hbm>> -> memref<256x128xi32, #tpu.memory_space<hbm>>
        %dma_start3A_550 = tpu.memref_bitcast %arg5 : memref<819200x128xbf16, #tpu.memory_space<hbm>> -> memref<409600x128xi32, #tpu.memory_space<hbm>>
        %dma_start3A_551 = arith.constant 0 : i32
        %dma_start3A_552 = tpu.memref_slice %dma_start3A_550[%add3A_469, %dma_start3A_551] : memref<409600x128xi32, #tpu.memory_space<hbm>> -> memref<256x128xi32, #tpu.memory_space<hbm>>
        tpu.enqueue_dma source(%arg12 : memref<256x128xi32, #tpu.memory_space<vmem>>) target(%dma_start3A_552 : memref<256x128xi32, #tpu.memory_space<hbm>>) target_semaphore(%run_scoped3A_546 : memref<!tpu.dma_semaphore, #tpu.memory_space<semaphore_mem>>)
        %dma_wait3A_553 = tpu.memref_bitcast %arg5 : memref<819200x128xbf16, #tpu.memory_space<hbm>> -> memref<409600x128xi32, #tpu.memory_space<hbm>>
        %dma_wait3A_554 = arith.constant 0 : i32
        %dma_wait3A_555 = tpu.memref_slice %dma_wait3A_553[%add3A_469, %dma_wait3A_554] : memref<409600x128xi32, #tpu.memory_space<hbm>> -> memref<256x128xi32, #tpu.memory_space<hbm>>
        %dma_wait3A_556 = tpu.memref_bitcast %arg5 : memref<819200x128xbf16, #tpu.memory_space<hbm>> -> memref<409600x128xi32, #tpu.memory_space<hbm>>
        %dma_wait3A_557 = arith.constant 0 : i32
        %dma_wait3A_558 = tpu.memref_slice %dma_wait3A_556[%add3A_469, %dma_wait3A_557] : memref<409600x128xi32, #tpu.memory_space<hbm>> -> memref<256x128xi32, #tpu.memory_space<hbm>>
        tpu.wait_dma2 semaphore(%run_scoped3A_546 : memref<!tpu.dma_semaphore, #tpu.memory_space<semaphore_mem>>) src(%arg12 : memref<256x128xi32, #tpu.memory_space<vmem>>) dst(%dma_wait3A_558 : memref<256x128xi32, #tpu.memory_space<hbm>>)
        tpu.yield
      }) : () -> ()
      %lt3A_470 = arith.constant 48 : i32
      %lt3A_471 = arith.cmpi slt, %add3A_425, %lt3A_470 : i32
      %convert_element_type3A = arith.extui %lt3A_471 : i1 to i32
      %cond3A = arith.constant 0 : i32
      %cond3A_472 = arith.cmpi ne, %convert_element_type3A, %cond3A : i32
      scf.if %cond3A_472 {
        %add3A_546 = arith.constant 2 : i32
        %add3A_547 = arith.addi %add3A_425, %add3A_546 : i32
        %jit3A_548 = arith.constant 1 : i32
        %div3A_549 = arith.divsi %add3A_547, %jit3A_548 : i32
        %sign3A_550 = arith.constant 0 : i32
        %sign3A_551 = arith.cmpi sgt, %add3A_547, %sign3A_550 : i32
        %sign3A_552 = arith.extui %sign3A_551 : i1 to i32
        %sign3A_553 = arith.constant 0 : i32
        %sign3A_554 = arith.cmpi slt, %add3A_547, %sign3A_553 : i32
        %sign3A_555 = arith.extui %sign3A_554 : i1 to i32
        %sign3A_556 = arith.subi %sign3A_552, %sign3A_555 : i32
        %sign3A_557 = arith.constant 0 : i32
        %sign3A_558 = arith.cmpi sgt, %jit3A_548, %sign3A_557 : i32
        %sign3A_559 = arith.extui %sign3A_558 : i1 to i32
        %sign3A_560 = arith.constant 0 : i32
        %sign3A_561 = arith.cmpi slt, %jit3A_548, %sign3A_560 : i32
        %sign3A_562 = arith.extui %sign3A_561 : i1 to i32
        %sign3A_563 = arith.subi %sign3A_559, %sign3A_562 : i32
        %ne3A_564 = arith.cmpi ne, %sign3A_556, %sign3A_563 : i32
        %rem3A_565 = arith.remsi %add3A_547, %jit3A_548 : i32
        %ne3A_566 = arith.constant 0 : i32
        %ne3A_567 = arith.cmpi ne, %rem3A_565, %ne3A_566 : i32
        %and3A_568 = arith.andi %ne3A_564, %ne3A_567 : i1
        %sub3A_569 = arith.constant 1 : i32
        %sub3A_570 = arith.subi %div3A_549, %sub3A_569 : i32
        %select_n3A_571 = arith.select %and3A_568, %sub3A_570, %div3A_549 : i32
        %jit3A_572 = arith.constant 1 : i32
        %eq3A_573 = arith.constant 0 : i32
        %eq3A_574 = arith.cmpi eq, %jit3A_572, %eq3A_573 : i32
        %jit3A_575 = arith.constant 1 : i32
        %select_n3A_576 = arith.select %eq3A_574, %jit3A_575, %jit3A_572 : i32
        %rem3A_577 = arith.remsi %add3A_547, %select_n3A_576 : i32
        %ne3A_578 = arith.constant 0 : i32
        %ne3A_579 = arith.cmpi ne, %rem3A_577, %ne3A_578 : i32
        %lt3A_580 = arith.constant 0 : i32
        %lt3A_581 = arith.cmpi slt, %rem3A_577, %lt3A_580 : i32
        %lt3A_582 = arith.constant 0 : i32
        %lt3A_583 = arith.cmpi slt, %select_n3A_576, %lt3A_582 : i32
        %ne3A_584 = arith.xori %lt3A_581, %lt3A_583 : i1
        %and3A_585 = arith.andi %ne3A_584, %ne3A_579 : i1
        %add3A_586 = arith.addi %rem3A_577, %select_n3A_576 : i32
        %select_n3A_587 = arith.select %and3A_585, %add3A_586, %rem3A_577 : i32
        %mul3A_588 = arith.constant 256 : i32
        %mul3A_589 = arith.muli %select_n3A_587, %mul3A_588 : i32
        %add3A_590 = arith.addi %mul3A_2, %mul3A_589 : i32
        %mul3A_591 = arith.constant 8192 : i32
        %mul3A_592 = arith.muli %select_n3A_571, %mul3A_591 : i32
        %add3A_593 = arith.addi %mul3A_592, %add3A_590 : i32
        %mul3A_594 = arith.constant 2 : i32
        %mul3A_595 = arith.muli %mul3A_594, %add3A_590 : i32
        "tpu.region"() ({
          %run_scoped3A_791 = tpu.sem_alloc : memref<!tpu.dma_semaphore, #tpu.memory_space<semaphore_mem>>
          %dma_start3A_792 = tpu.memref_slice %arg4[%select_n3A_571, %mul3A_595] : memref<50x16384xi32, #tpu.memory_space<hbm>> -> memref<1x512xi32, #tpu.memory_space<hbm>>
          %dma_start3A_793 = tpu.memref_squeeze %dma_start3A_792 : memref<1x512xi32, #tpu.memory_space<hbm>> -> memref<512xi32, #tpu.memory_space<hbm>>
          %dma_start3A_794 = tpu.memref_slice %arg4[%select_n3A_571, %mul3A_595] : memref<50x16384xi32, #tpu.memory_space<hbm>> -> memref<1x512xi32, #tpu.memory_space<hbm>>
          %dma_start3A_795 = tpu.memref_squeeze %dma_start3A_794 : memref<1x512xi32, #tpu.memory_space<hbm>> -> memref<512xi32, #tpu.memory_space<hbm>>
          tpu.enqueue_dma source(%dma_start3A_795 : memref<512xi32, #tpu.memory_space<hbm>>) target(%arg6 : memref<512xi32, #tpu.memory_space<vmem>>) target_semaphore(%run_scoped3A_791 : memref<!tpu.dma_semaphore, #tpu.memory_space<semaphore_mem>>)
          %dma_wait3A_796 = tpu.memref_slice %arg4[%select_n3A_571, %mul3A_595] : memref<50x16384xi32, #tpu.memory_space<hbm>> -> memref<1x512xi32, #tpu.memory_space<hbm>>
          %dma_wait3A_797 = tpu.memref_squeeze %dma_wait3A_796 : memref<1x512xi32, #tpu.memory_space<hbm>> -> memref<512xi32, #tpu.memory_space<hbm>>
          %dma_wait3A_798 = tpu.memref_slice %arg4[%select_n3A_571, %mul3A_595] : memref<50x16384xi32, #tpu.memory_space<hbm>> -> memref<1x512xi32, #tpu.memory_space<hbm>>
          %dma_wait3A_799 = tpu.memref_squeeze %dma_wait3A_798 : memref<1x512xi32, #tpu.memory_space<hbm>> -> memref<512xi32, #tpu.memory_space<hbm>>
          tpu.wait_dma2 semaphore(%run_scoped3A_791 : memref<!tpu.dma_semaphore, #tpu.memory_space<semaphore_mem>>) src(%dma_wait3A_799 : memref<512xi32, #tpu.memory_space<hbm>>) dst(%arg6 : memref<512xi32, #tpu.memory_space<vmem>>)
          tpu.yield
        }) : () -> ()
        %add3A_596 = arith.constant 0 : i32
        %add3A_597 = vector.broadcast %add3A_596 : i32 to vector<16xi32>
        %add3A_598 = arith.addi %mul3A_5, %add3A_597 : vector<16xi32>
        %gather3A_599 = tpu.vector_load_idx %arg6[%add3A_598] : memref<512xi32, #tpu.memory_space<vmem>>[vector<16xi32>], vector<16xi32>,
        %swap3A_600 = arith.constant 0 : index
        %swap3A_601 = tpu.vector_load %arg8[%swap3A_600] {strides = array<i32>} : memref<256xi32, #tpu.memory_space<vmem>>, vector<16xi32>,
        tpu.vector_store %arg8[%swap3A_600], %gather3A_599 {strides = array<i32>} : memref<256xi32, #tpu.memory_space<vmem>>, vector<16xi32>,
        %add3A_602 = arith.constant 1 : i32
        %add3A_603 = vector.broadcast %add3A_602 : i32 to vector<16xi32>
        %add3A_604 = arith.addi %add3A_598, %add3A_603 : vector<16xi32>
        %gather3A_605 = tpu.vector_load_idx %arg6[%add3A_604] : memref<512xi32, #tpu.memory_space<vmem>>[vector<16xi32>], vector<16xi32>,
        %swap3A_606 = arith.constant 0 : index
        %swap3A_607 = tpu.vector_load %arg10[%swap3A_606] {strides = array<i32>} : memref<256xi32, #tpu.memory_space<vmem>>, vector<16xi32>,
        tpu.vector_store %arg10[%swap3A_606], %gather3A_605 {strides = array<i32>} : memref<256xi32, #tpu.memory_space<vmem>>, vector<16xi32>,
        %add3A_608 = arith.constant 32 : i32
        %add3A_609 = vector.broadcast %add3A_608 : i32 to vector<16xi32>
        %add3A_610 = arith.addi %mul3A_5, %add3A_609 : vector<16xi32>
        %gather3A_611 = tpu.vector_load_idx %arg6[%add3A_610] : memref<512xi32, #tpu.memory_space<vmem>>[vector<16xi32>], vector<16xi32>,
        %swap3A_612 = arith.constant 16 : index
        %swap3A_613 = tpu.vector_load %arg8[%swap3A_612] {strides = array<i32>} : memref<256xi32, #tpu.memory_space<vmem>>, vector<16xi32>,
        tpu.vector_store %arg8[%swap3A_612], %gather3A_611 {strides = array<i32>} : memref<256xi32, #tpu.memory_space<vmem>>, vector<16xi32>,
        %add3A_614 = arith.constant 1 : i32
        %add3A_615 = vector.broadcast %add3A_614 : i32 to vector<16xi32>
        %add3A_616 = arith.addi %add3A_610, %add3A_615 : vector<16xi32>
        %gather3A_617 = tpu.vector_load_idx %arg6[%add3A_616] : memref<512xi32, #tpu.memory_space<vmem>>[vector<16xi32>], vector<16xi32>,
        %swap3A_618 = arith.constant 16 : index
        %swap3A_619 = tpu.vector_load %arg10[%swap3A_618] {strides = array<i32>} : memref<256xi32, #tpu.memory_space<vmem>>, vector<16xi32>,
        tpu.vector_store %arg10[%swap3A_618], %gather3A_617 {strides = array<i32>} : memref<256xi32, #tpu.memory_space<vmem>>, vector<16xi32>,
        %add3A_620 = arith.constant 64 : i32
        %add3A_621 = vector.broadcast %add3A_620 : i32 to vector<16xi32>
        %add3A_622 = arith.addi %mul3A_5, %add3A_621 : vector<16xi32>
        %gather3A_623 = tpu.vector_load_idx %arg6[%add3A_622] : memref<512xi32, #tpu.memory_space<vmem>>[vector<16xi32>], vector<16xi32>,
        %swap3A_624 = arith.constant 32 : index
        %swap3A_625 = tpu.vector_load %arg8[%swap3A_624] {strides = array<i32>} : memref<256xi32, #tpu.memory_space<vmem>>, vector<16xi32>,
        tpu.vector_store %arg8[%swap3A_624], %gather3A_623 {strides = array<i32>} : memref<256xi32, #tpu.memory_space<vmem>>, vector<16xi32>,
        %add3A_626 = arith.constant 1 : i32
        %add3A_627 = vector.broadcast %add3A_626 : i32 to vector<16xi32>
        %add3A_628 = arith.addi %add3A_622, %add3A_627 : vector<16xi32>
        %gather3A_629 = tpu.vector_load_idx %arg6[%add3A_628] : memref<512xi32, #tpu.memory_space<vmem>>[vector<16xi32>], vector<16xi32>,
        %swap3A_630 = arith.constant 32 : index
        %swap3A_631 = tpu.vector_load %arg10[%swap3A_630] {strides = array<i32>} : memref<256xi32, #tpu.memory_space<vmem>>, vector<16xi32>,
        tpu.vector_store %arg10[%swap3A_630], %gather3A_629 {strides = array<i32>} : memref<256xi32, #tpu.memory_space<vmem>>, vector<16xi32>,
        %add3A_632 = arith.constant 96 : i32
        %add3A_633 = vector.broadcast %add3A_632 : i32 to vector<16xi32>
        %add3A_634 = arith.addi %mul3A_5, %add3A_633 : vector<16xi32>
        %gather3A_635 = tpu.vector_load_idx %arg6[%add3A_634] : memref<512xi32, #tpu.memory_space<vmem>>[vector<16xi32>], vector<16xi32>,
        %swap3A_636 = arith.constant 48 : index
        %swap3A_637 = tpu.vector_load %arg8[%swap3A_636] {strides = array<i32>} : memref<256xi32, #tpu.memory_space<vmem>>, vector<16xi32>,
        tpu.vector_store %arg8[%swap3A_636], %gather3A_635 {strides = array<i32>} : memref<256xi32, #tpu.memory_space<vmem>>, vector<16xi32>,
        %add3A_638 = arith.constant 1 : i32
        %add3A_639 = vector.broadcast %add3A_638 : i32 to vector<16xi32>
        %add3A_640 = arith.addi %add3A_634, %add3A_639 : vector<16xi32>
        %gather3A_641 = tpu.vector_load_idx %arg6[%add3A_640] : memref<512xi32, #tpu.memory_space<vmem>>[vector<16xi32>], vector<16xi32>,
        %swap3A_642 = arith.constant 48 : index
        %swap3A_643 = tpu.vector_load %arg10[%swap3A_642] {strides = array<i32>} : memref<256xi32, #tpu.memory_space<vmem>>, vector<16xi32>,
        tpu.vector_store %arg10[%swap3A_642], %gather3A_641 {strides = array<i32>} : memref<256xi32, #tpu.memory_space<vmem>>, vector<16xi32>,
        %add3A_644 = arith.constant 128 : i32
        %add3A_645 = vector.broadcast %add3A_644 : i32 to vector<16xi32>
        %add3A_646 = arith.addi %mul3A_5, %add3A_645 : vector<16xi32>
        %gather3A_647 = tpu.vector_load_idx %arg6[%add3A_646] : memref<512xi32, #tpu.memory_space<vmem>>[vector<16xi32>], vector<16xi32>,
        %swap3A_648 = arith.constant 64 : index
        %swap3A_649 = tpu.vector_load %arg8[%swap3A_648] {strides = array<i32>} : memref<256xi32, #tpu.memory_space<vmem>>, vector<16xi32>,
        tpu.vector_store %arg8[%swap3A_648], %gather3A_647 {strides = array<i32>} : memref<256xi32, #tpu.memory_space<vmem>>, vector<16xi32>,
        %add3A_650 = arith.constant 1 : i32
        %add3A_651 = vector.broadcast %add3A_650 : i32 to vector<16xi32>
        %add3A_652 = arith.addi %add3A_646, %add3A_651 : vector<16xi32>
        %gather3A_653 = tpu.vector_load_idx %arg6[%add3A_652] : memref<512xi32, #tpu.memory_space<vmem>>[vector<16xi32>], vector<16xi32>,
        %swap3A_654 = arith.constant 64 : index
        %swap3A_655 = tpu.vector_load %arg10[%swap3A_654] {strides = array<i32>} : memref<256xi32, #tpu.memory_space<vmem>>, vector<16xi32>,
        tpu.vector_store %arg10[%swap3A_654], %gather3A_653 {strides = array<i32>} : memref<256xi32, #tpu.memory_space<vmem>>, vector<16xi32>,
        %add3A_656 = arith.constant 160 : i32
        %add3A_657 = vector.broadcast %add3A_656 : i32 to vector<16xi32>
        %add3A_658 = arith.addi %mul3A_5, %add3A_657 : vector<16xi32>
        %gather3A_659 = tpu.vector_load_idx %arg6[%add3A_658] : memref<512xi32, #tpu.memory_space<vmem>>[vector<16xi32>], vector<16xi32>,
        %swap3A_660 = arith.constant 80 : index
        %swap3A_661 = tpu.vector_load %arg8[%swap3A_660] {strides = array<i32>} : memref<256xi32, #tpu.memory_space<vmem>>, vector<16xi32>,
        tpu.vector_store %arg8[%swap3A_660], %gather3A_659 {strides = array<i32>} : memref<256xi32, #tpu.memory_space<vmem>>, vector<16xi32>,
        %add3A_662 = arith.constant 1 : i32
        %add3A_663 = vector.broadcast %add3A_662 : i32 to vector<16xi32>
        %add3A_664 = arith.addi %add3A_658, %add3A_663 : vector<16xi32>
        %gather3A_665 = tpu.vector_load_idx %arg6[%add3A_664] : memref<512xi32, #tpu.memory_space<vmem>>[vector<16xi32>], vector<16xi32>,
        %swap3A_666 = arith.constant 80 : index
        %swap3A_667 = tpu.vector_load %arg10[%swap3A_666] {strides = array<i32>} : memref<256xi32, #tpu.memory_space<vmem>>, vector<16xi32>,
        tpu.vector_store %arg10[%swap3A_666], %gather3A_665 {strides = array<i32>} : memref<256xi32, #tpu.memory_space<vmem>>, vector<16xi32>,
        %add3A_668 = arith.constant 192 : i32
        %add3A_669 = vector.broadcast %add3A_668 : i32 to vector<16xi32>
        %add3A_670 = arith.addi %mul3A_5, %add3A_669 : vector<16xi32>
        %gather3A_671 = tpu.vector_load_idx %arg6[%add3A_670] : memref<512xi32, #tpu.memory_space<vmem>>[vector<16xi32>], vector<16xi32>,
        %swap3A_672 = arith.constant 96 : index
        %swap3A_673 = tpu.vector_load %arg8[%swap3A_672] {strides = array<i32>} : memref<256xi32, #tpu.memory_space<vmem>>, vector<16xi32>,
        tpu.vector_store %arg8[%swap3A_672], %gather3A_671 {strides = array<i32>} : memref<256xi32, #tpu.memory_space<vmem>>, vector<16xi32>,
        %add3A_674 = arith.constant 1 : i32
        %add3A_675 = vector.broadcast %add3A_674 : i32 to vector<16xi32>
        %add3A_676 = arith.addi %add3A_670, %add3A_675 : vector<16xi32>
        %gather3A_677 = tpu.vector_load_idx %arg6[%add3A_676] : memref<512xi32, #tpu.memory_space<vmem>>[vector<16xi32>], vector<16xi32>,
        %swap3A_678 = arith.constant 96 : index
        %swap3A_679 = tpu.vector_load %arg10[%swap3A_678] {strides = array<i32>} : memref<256xi32, #tpu.memory_space<vmem>>, vector<16xi32>,
        tpu.vector_store %arg10[%swap3A_678], %gather3A_677 {strides = array<i32>} : memref<256xi32, #tpu.memory_space<vmem>>, vector<16xi32>,
        %add3A_680 = arith.constant 224 : i32
        %add3A_681 = vector.broadcast %add3A_680 : i32 to vector<16xi32>
        %add3A_682 = arith.addi %mul3A_5, %add3A_681 : vector<16xi32>
        %gather3A_683 = tpu.vector_load_idx %arg6[%add3A_682] : memref<512xi32, #tpu.memory_space<vmem>>[vector<16xi32>], vector<16xi32>,
        %swap3A_684 = arith.constant 112 : index
        %swap3A_685 = tpu.vector_load %arg8[%swap3A_684] {strides = array<i32>} : memref<256xi32, #tpu.memory_space<vmem>>, vector<16xi32>,
        tpu.vector_store %arg8[%swap3A_684], %gather3A_683 {strides = array<i32>} : memref<256xi32, #tpu.memory_space<vmem>>, vector<16xi32>,
        %add3A_686 = arith.constant 1 : i32
        %add3A_687 = vector.broadcast %add3A_686 : i32 to vector<16xi32>
        %add3A_688 = arith.addi %add3A_682, %add3A_687 : vector<16xi32>
        %gather3A_689 = tpu.vector_load_idx %arg6[%add3A_688] : memref<512xi32, #tpu.memory_space<vmem>>[vector<16xi32>], vector<16xi32>,
        %swap3A_690 = arith.constant 112 : index
        %swap3A_691 = tpu.vector_load %arg10[%swap3A_690] {strides = array<i32>} : memref<256xi32, #tpu.memory_space<vmem>>, vector<16xi32>,
        tpu.vector_store %arg10[%swap3A_690], %gather3A_689 {strides = array<i32>} : memref<256xi32, #tpu.memory_space<vmem>>, vector<16xi32>,
        %add3A_692 = arith.constant 256 : i32
        %add3A_693 = vector.broadcast %add3A_692 : i32 to vector<16xi32>
        %add3A_694 = arith.addi %mul3A_5, %add3A_693 : vector<16xi32>
        %gather3A_695 = tpu.vector_load_idx %arg6[%add3A_694] : memref<512xi32, #tpu.memory_space<vmem>>[vector<16xi32>], vector<16xi32>,
        %swap3A_696 = arith.constant 128 : index
        %swap3A_697 = tpu.vector_load %arg8[%swap3A_696] {strides = array<i32>} : memref<256xi32, #tpu.memory_space<vmem>>, vector<16xi32>,
        tpu.vector_store %arg8[%swap3A_696], %gather3A_695 {strides = array<i32>} : memref<256xi32, #tpu.memory_space<vmem>>, vector<16xi32>,
        %add3A_698 = arith.constant 1 : i32
        %add3A_699 = vector.broadcast %add3A_698 : i32 to vector<16xi32>
        %add3A_700 = arith.addi %add3A_694, %add3A_699 : vector<16xi32>
        %gather3A_701 = tpu.vector_load_idx %arg6[%add3A_700] : memref<512xi32, #tpu.memory_space<vmem>>[vector<16xi32>], vector<16xi32>,
        %swap3A_702 = arith.constant 128 : index
        %swap3A_703 = tpu.vector_load %arg10[%swap3A_702] {strides = array<i32>} : memref<256xi32, #tpu.memory_space<vmem>>, vector<16xi32>,
        tpu.vector_store %arg10[%swap3A_702], %gather3A_701 {strides = array<i32>} : memref<256xi32, #tpu.memory_space<vmem>>, vector<16xi32>,
        %add3A_704 = arith.constant 288 : i32
        %add3A_705 = vector.broadcast %add3A_704 : i32 to vector<16xi32>
        %add3A_706 = arith.addi %mul3A_5, %add3A_705 : vector<16xi32>
        %gather3A_707 = tpu.vector_load_idx %arg6[%add3A_706] : memref<512xi32, #tpu.memory_space<vmem>>[vector<16xi32>], vector<16xi32>,
        %swap3A_708 = arith.constant 144 : index
        %swap3A_709 = tpu.vector_load %arg8[%swap3A_708] {strides = array<i32>} : memref<256xi32, #tpu.memory_space<vmem>>, vector<16xi32>,
        tpu.vector_store %arg8[%swap3A_708], %gather3A_707 {strides = array<i32>} : memref<256xi32, #tpu.memory_space<vmem>>, vector<16xi32>,
        %add3A_710 = arith.constant 1 : i32
        %add3A_711 = vector.broadcast %add3A_710 : i32 to vector<16xi32>
        %add3A_712 = arith.addi %add3A_706, %add3A_711 : vector<16xi32>
        %gather3A_713 = tpu.vector_load_idx %arg6[%add3A_712] : memref<512xi32, #tpu.memory_space<vmem>>[vector<16xi32>], vector<16xi32>,
        %swap3A_714 = arith.constant 144 : index
        %swap3A_715 = tpu.vector_load %arg10[%swap3A_714] {strides = array<i32>} : memref<256xi32, #tpu.memory_space<vmem>>, vector<16xi32>,
        tpu.vector_store %arg10[%swap3A_714], %gather3A_713 {strides = array<i32>} : memref<256xi32, #tpu.memory_space<vmem>>, vector<16xi32>,
        %add3A_716 = arith.constant 320 : i32
        %add3A_717 = vector.broadcast %add3A_716 : i32 to vector<16xi32>
        %add3A_718 = arith.addi %mul3A_5, %add3A_717 : vector<16xi32>
        %gather3A_719 = tpu.vector_load_idx %arg6[%add3A_718] : memref<512xi32, #tpu.memory_space<vmem>>[vector<16xi32>], vector<16xi32>,
        %swap3A_720 = arith.constant 160 : index
        %swap3A_721 = tpu.vector_load %arg8[%swap3A_720] {strides = array<i32>} : memref<256xi32, #tpu.memory_space<vmem>>, vector<16xi32>,
        tpu.vector_store %arg8[%swap3A_720], %gather3A_719 {strides = array<i32>} : memref<256xi32, #tpu.memory_space<vmem>>, vector<16xi32>,
        %add3A_722 = arith.constant 1 : i32
        %add3A_723 = vector.broadcast %add3A_722 : i32 to vector<16xi32>
        %add3A_724 = arith.addi %add3A_718, %add3A_723 : vector<16xi32>
        %gather3A_725 = tpu.vector_load_idx %arg6[%add3A_724] : memref<512xi32, #tpu.memory_space<vmem>>[vector<16xi32>], vector<16xi32>,
        %swap3A_726 = arith.constant 160 : index
        %swap3A_727 = tpu.vector_load %arg10[%swap3A_726] {strides = array<i32>} : memref<256xi32, #tpu.memory_space<vmem>>, vector<16xi32>,
        tpu.vector_store %arg10[%swap3A_726], %gather3A_725 {strides = array<i32>} : memref<256xi32, #tpu.memory_space<vmem>>, vector<16xi32>,
        %add3A_728 = arith.constant 352 : i32
        %add3A_729 = vector.broadcast %add3A_728 : i32 to vector<16xi32>
        %add3A_730 = arith.addi %mul3A_5, %add3A_729 : vector<16xi32>
        %gather3A_731 = tpu.vector_load_idx %arg6[%add3A_730] : memref<512xi32, #tpu.memory_space<vmem>>[vector<16xi32>], vector<16xi32>,
        %swap3A_732 = arith.constant 176 : index
        %swap3A_733 = tpu.vector_load %arg8[%swap3A_732] {strides = array<i32>} : memref<256xi32, #tpu.memory_space<vmem>>, vector<16xi32>,
        tpu.vector_store %arg8[%swap3A_732], %gather3A_731 {strides = array<i32>} : memref<256xi32, #tpu.memory_space<vmem>>, vector<16xi32>,
        %add3A_734 = arith.constant 1 : i32
        %add3A_735 = vector.broadcast %add3A_734 : i32 to vector<16xi32>
        %add3A_736 = arith.addi %add3A_730, %add3A_735 : vector<16xi32>
        %gather3A_737 = tpu.vector_load_idx %arg6[%add3A_736] : memref<512xi32, #tpu.memory_space<vmem>>[vector<16xi32>], vector<16xi32>,
        %swap3A_738 = arith.constant 176 : index
        %swap3A_739 = tpu.vector_load %arg10[%swap3A_738] {strides = array<i32>} : memref<256xi32, #tpu.memory_space<vmem>>, vector<16xi32>,
        tpu.vector_store %arg10[%swap3A_738], %gather3A_737 {strides = array<i32>} : memref<256xi32, #tpu.memory_space<vmem>>, vector<16xi32>,
        %add3A_740 = arith.constant 384 : i32
        %add3A_741 = vector.broadcast %add3A_740 : i32 to vector<16xi32>
        %add3A_742 = arith.addi %mul3A_5, %add3A_741 : vector<16xi32>
        %gather3A_743 = tpu.vector_load_idx %arg6[%add3A_742] : memref<512xi32, #tpu.memory_space<vmem>>[vector<16xi32>], vector<16xi32>,
        %swap3A_744 = arith.constant 192 : index
        %swap3A_745 = tpu.vector_load %arg8[%swap3A_744] {strides = array<i32>} : memref<256xi32, #tpu.memory_space<vmem>>, vector<16xi32>,
        tpu.vector_store %arg8[%swap3A_744], %gather3A_743 {strides = array<i32>} : memref<256xi32, #tpu.memory_space<vmem>>, vector<16xi32>,
        %add3A_746 = arith.constant 1 : i32
        %add3A_747 = vector.broadcast %add3A_746 : i32 to vector<16xi32>
        %add3A_748 = arith.addi %add3A_742, %add3A_747 : vector<16xi32>
        %gather3A_749 = tpu.vector_load_idx %arg6[%add3A_748] : memref<512xi32, #tpu.memory_space<vmem>>[vector<16xi32>], vector<16xi32>,
        %swap3A_750 = arith.constant 192 : index
        %swap3A_751 = tpu.vector_load %arg10[%swap3A_750] {strides = array<i32>} : memref<256xi32, #tpu.memory_space<vmem>>, vector<16xi32>,
        tpu.vector_store %arg10[%swap3A_750], %gather3A_749 {strides = array<i32>} : memref<256xi32, #tpu.memory_space<vmem>>, vector<16xi32>,
        %add3A_752 = arith.constant 416 : i32
        %add3A_753 = vector.broadcast %add3A_752 : i32 to vector<16xi32>
        %add3A_754 = arith.addi %mul3A_5, %add3A_753 : vector<16xi32>
        %gather3A_755 = tpu.vector_load_idx %arg6[%add3A_754] : memref<512xi32, #tpu.memory_space<vmem>>[vector<16xi32>], vector<16xi32>,
        %swap3A_756 = arith.constant 208 : index
        %swap3A_757 = tpu.vector_load %arg8[%swap3A_756] {strides = array<i32>} : memref<256xi32, #tpu.memory_space<vmem>>, vector<16xi32>,
        tpu.vector_store %arg8[%swap3A_756], %gather3A_755 {strides = array<i32>} : memref<256xi32, #tpu.memory_space<vmem>>, vector<16xi32>,
        %add3A_758 = arith.constant 1 : i32
        %add3A_759 = vector.broadcast %add3A_758 : i32 to vector<16xi32>
        %add3A_760 = arith.addi %add3A_754, %add3A_759 : vector<16xi32>
        %gather3A_761 = tpu.vector_load_idx %arg6[%add3A_760] : memref<512xi32, #tpu.memory_space<vmem>>[vector<16xi32>], vector<16xi32>,
        %swap3A_762 = arith.constant 208 : index
        %swap3A_763 = tpu.vector_load %arg10[%swap3A_762] {strides = array<i32>} : memref<256xi32, #tpu.memory_space<vmem>>, vector<16xi32>,
        tpu.vector_store %arg10[%swap3A_762], %gather3A_761 {strides = array<i32>} : memref<256xi32, #tpu.memory_space<vmem>>, vector<16xi32>,
        %add3A_764 = arith.constant 448 : i32
        %add3A_765 = vector.broadcast %add3A_764 : i32 to vector<16xi32>
        %add3A_766 = arith.addi %mul3A_5, %add3A_765 : vector<16xi32>
        %gather3A_767 = tpu.vector_load_idx %arg6[%add3A_766] : memref<512xi32, #tpu.memory_space<vmem>>[vector<16xi32>], vector<16xi32>,
        %swap3A_768 = arith.constant 224 : index
        %swap3A_769 = tpu.vector_load %arg8[%swap3A_768] {strides = array<i32>} : memref<256xi32, #tpu.memory_space<vmem>>, vector<16xi32>,
        tpu.vector_store %arg8[%swap3A_768], %gather3A_767 {strides = array<i32>} : memref<256xi32, #tpu.memory_space<vmem>>, vector<16xi32>,
        %add3A_770 = arith.constant 1 : i32
        %add3A_771 = vector.broadcast %add3A_770 : i32 to vector<16xi32>
        %add3A_772 = arith.addi %add3A_766, %add3A_771 : vector<16xi32>
        %gather3A_773 = tpu.vector_load_idx %arg6[%add3A_772] : memref<512xi32, #tpu.memory_space<vmem>>[vector<16xi32>], vector<16xi32>,
        %swap3A_774 = arith.constant 224 : index
        %swap3A_775 = tpu.vector_load %arg10[%swap3A_774] {strides = array<i32>} : memref<256xi32, #tpu.memory_space<vmem>>, vector<16xi32>,
        tpu.vector_store %arg10[%swap3A_774], %gather3A_773 {strides = array<i32>} : memref<256xi32, #tpu.memory_space<vmem>>, vector<16xi32>,
        %add3A_776 = arith.constant 480 : i32
        %add3A_777 = vector.broadcast %add3A_776 : i32 to vector<16xi32>
        %add3A_778 = arith.addi %mul3A_5, %add3A_777 : vector<16xi32>
        %gather3A_779 = tpu.vector_load_idx %arg6[%add3A_778] : memref<512xi32, #tpu.memory_space<vmem>>[vector<16xi32>], vector<16xi32>,
        %swap3A_780 = arith.constant 240 : index
        %swap3A_781 = tpu.vector_load %arg8[%swap3A_780] {strides = array<i32>} : memref<256xi32, #tpu.memory_space<vmem>>, vector<16xi32>,
        tpu.vector_store %arg8[%swap3A_780], %gather3A_779 {strides = array<i32>} : memref<256xi32, #tpu.memory_space<vmem>>, vector<16xi32>,
        %add3A_782 = arith.constant 1 : i32
        %add3A_783 = vector.broadcast %add3A_782 : i32 to vector<16xi32>
        %add3A_784 = arith.addi %add3A_778, %add3A_783 : vector<16xi32>
        %gather3A_785 = tpu.vector_load_idx %arg6[%add3A_784] : memref<512xi32, #tpu.memory_space<vmem>>[vector<16xi32>], vector<16xi32>,
        %swap3A_786 = arith.constant 240 : index
        %swap3A_787 = tpu.vector_load %arg10[%swap3A_786] {strides = array<i32>} : memref<256xi32, #tpu.memory_space<vmem>>, vector<16xi32>,
        tpu.vector_store %arg10[%swap3A_786], %gather3A_785 {strides = array<i32>} : memref<256xi32, #tpu.memory_space<vmem>>, vector<16xi32>,
        %dma_start3A_788 = arith.constant 0 : i32
        %dma_start3A_789 = arith.constant 0 : i32
        %dma_start3A_790 = tpu.memref_slice %arg2[%dma_start3A_788, %dma_start3A_789] : memref<1000x128xi32, #tpu.memory_space<hbm>> -> memref<1000x128xi32, #tpu.memory_space<hbm>>
        tpu.enqueue_indirect_dma source(%dma_start3A_790 : memref<1000x128xi32, #tpu.memory_space<hbm>>) target(%arg12 : memref<256x128xi32, #tpu.memory_space<vmem>>) offsets(%arg8 : memref<256xi32, #tpu.memory_space<vmem>>) semaphore(%arg14 : memref<!tpu.dma_semaphore, #tpu.memory_space<semaphore_mem>>)
      } else {
      }
      %lt3A_473 = arith.constant 49 : i32
      %lt3A_474 = arith.cmpi slt, %add3A_425, %lt3A_473 : i32
      %convert_element_type3A_475 = arith.extui %lt3A_474 : i1 to i32
      %cond3A_476 = arith.constant 0 : i32
      %cond3A_477 = arith.cmpi ne, %convert_element_type3A_475, %cond3A_476 : i32
      scf.if %cond3A_477 {
        %dma_wait3A_546 = tpu.memref_bitcast %arg5 : memref<819200x128xbf16, #tpu.memory_space<hbm>> -> memref<409600x128xi32, #tpu.memory_space<hbm>>
        %dma_wait3A_547 = arith.constant 0 : i32
        %dma_wait3A_548 = arith.constant 0 : i32
        %dma_wait3A_549 = tpu.memref_slice %dma_wait3A_546[%dma_wait3A_547, %dma_wait3A_548] : memref<409600x128xi32, #tpu.memory_space<hbm>> -> memref<256x128xi32, #tpu.memory_space<hbm>>
        %dma_wait3A_550 = tpu.memref_bitcast %arg5 : memref<819200x128xbf16, #tpu.memory_space<hbm>> -> memref<409600x128xi32, #tpu.memory_space<hbm>>
        %dma_wait3A_551 = arith.constant 0 : i32
        %dma_wait3A_552 = arith.constant 0 : i32
        %dma_wait3A_553 = tpu.memref_slice %dma_wait3A_550[%dma_wait3A_551, %dma_wait3A_552] : memref<409600x128xi32, #tpu.memory_space<hbm>> -> memref<256x128xi32, #tpu.memory_space<hbm>>
        tpu.wait_dma2 semaphore(%arg15 : memref<!tpu.dma_semaphore, #tpu.memory_space<semaphore_mem>>) src(%dma_wait3A_553 : memref<256x128xi32, #tpu.memory_space<hbm>>) dst(%arg13 : memref<256x128xi32, #tpu.memory_space<vmem>>)
        %add3A_554 = arith.constant 1 : i32
        %add3A_555 = arith.addi %add3A_425, %add3A_554 : i32
        %dma_start3A_556 = arith.constant 0 : i32
        %dma_start3A_557 = arith.constant 0 : i32
        %dma_start3A_558 = tpu.memref_slice %arg3[%dma_start3A_556, %dma_start3A_557] : memref<1000x128xi32, #tpu.memory_space<hbm>> -> memref<1000x128xi32, #tpu.memory_space<hbm>>
        tpu.enqueue_indirect_dma source(%dma_start3A_558 : memref<1000x128xi32, #tpu.memory_space<hbm>>) target(%arg13 : memref<256x128xi32, #tpu.memory_space<vmem>>) offsets(%arg11 : memref<256xi32, #tpu.memory_space<vmem>>) semaphore(%arg17 : memref<!tpu.dma_semaphore, #tpu.memory_space<semaphore_mem>>) {add = true}
      } else {
      }
      %mul3A_478 = arith.constant 2 : i32
      %mul3A_479 = arith.muli %scan3A_421, %mul3A_478 : i32
      %add3A_480 = arith.constant 1 : i32
      %add3A_481 = arith.addi %mul3A_479, %add3A_480 : i32
      %dma_wait3A_482 = tpu.memref_bitcast %arg5 : memref<819200x128xbf16, #tpu.memory_space<hbm>> -> memref<409600x128xi32, #tpu.memory_space<hbm>>
      %dma_wait3A_483 = arith.constant 0 : i32
      %dma_wait3A_484 = arith.constant 0 : i32
      %dma_wait3A_485 = tpu.memref_slice %dma_wait3A_482[%dma_wait3A_483, %dma_wait3A_484] : memref<409600x128xi32, #tpu.memory_space<hbm>> -> memref<256x128xi32, #tpu.memory_space<hbm>>
      %dma_wait3A_486 = tpu.memref_bitcast %arg5 : memref<819200x128xbf16, #tpu.memory_space<hbm>> -> memref<409600x128xi32, #tpu.memory_space<hbm>>
      %dma_wait3A_487 = arith.constant 0 : i32
      %dma_wait3A_488 = arith.constant 0 : i32
      %dma_wait3A_489 = tpu.memref_slice %dma_wait3A_486[%dma_wait3A_487, %dma_wait3A_488] : memref<409600x128xi32, #tpu.memory_space<hbm>> -> memref<256x128xi32, #tpu.memory_space<hbm>>
      tpu.wait_dma2 semaphore(%arg17 : memref<!tpu.dma_semaphore, #tpu.memory_space<semaphore_mem>>) src(%dma_wait3A_489 : memref<256x128xi32, #tpu.memory_space<hbm>>) dst(%arg13 : memref<256x128xi32, #tpu.memory_space<vmem>>)
      %jit3A_490 = arith.constant 1 : i32
      %div3A_491 = arith.divsi %add3A_481, %jit3A_490 : i32
      %sign3A_492 = arith.constant 0 : i32
      %sign3A_493 = arith.cmpi sgt, %add3A_481, %sign3A_492 : i32
      %sign3A_494 = arith.extui %sign3A_493 : i1 to i32
      %sign3A_495 = arith.constant 0 : i32
      %sign3A_496 = arith.cmpi slt, %add3A_481, %sign3A_495 : i32
      %sign3A_497 = arith.extui %sign3A_496 : i1 to i32
      %sign3A_498 = arith.subi %sign3A_494, %sign3A_497 : i32
      %sign3A_499 = arith.constant 0 : i32
      %sign3A_500 = arith.cmpi sgt, %jit3A_490, %sign3A_499 : i32
      %sign3A_501 = arith.extui %sign3A_500 : i1 to i32
      %sign3A_502 = arith.constant 0 : i32
      %sign3A_503 = arith.cmpi slt, %jit3A_490, %sign3A_502 : i32
      %sign3A_504 = arith.extui %sign3A_503 : i1 to i32
      %sign3A_505 = arith.subi %sign3A_501, %sign3A_504 : i32
      %ne3A_506 = arith.cmpi ne, %sign3A_498, %sign3A_505 : i32
      %rem3A_507 = arith.remsi %add3A_481, %jit3A_490 : i32
      %ne3A_508 = arith.constant 0 : i32
      %ne3A_509 = arith.cmpi ne, %rem3A_507, %ne3A_508 : i32
      %and3A_510 = arith.andi %ne3A_506, %ne3A_509 : i1
      %sub3A_511 = arith.constant 1 : i32
      %sub3A_512 = arith.subi %div3A_491, %sub3A_511 : i32
      %select_n3A_513 = arith.select %and3A_510, %sub3A_512, %div3A_491 : i32
      %jit3A_514 = arith.constant 1 : i32
      %eq3A_515 = arith.constant 0 : i32
      %eq3A_516 = arith.cmpi eq, %jit3A_514, %eq3A_515 : i32
      %jit3A_517 = arith.constant 1 : i32
      %select_n3A_518 = arith.select %eq3A_516, %jit3A_517, %jit3A_514 : i32
      %rem3A_519 = arith.remsi %add3A_481, %select_n3A_518 : i32
      %ne3A_520 = arith.constant 0 : i32
      %ne3A_521 = arith.cmpi ne, %rem3A_519, %ne3A_520 : i32
      %lt3A_522 = arith.constant 0 : i32
      %lt3A_523 = arith.cmpi slt, %rem3A_519, %lt3A_522 : i32
      %lt3A_524 = arith.constant 0 : i32
      %lt3A_525 = arith.cmpi slt, %select_n3A_518, %lt3A_524 : i32
      %ne3A_526 = arith.xori %lt3A_523, %lt3A_525 : i1
      %and3A_527 = arith.andi %ne3A_526, %ne3A_521 : i1
      %add3A_528 = arith.addi %rem3A_519, %select_n3A_518 : i32
      %select_n3A_529 = arith.select %and3A_527, %add3A_528, %rem3A_519 : i32
      %mul3A_530 = arith.constant 256 : i32
      %mul3A_531 = arith.muli %select_n3A_529, %mul3A_530 : i32
      %add3A_532 = arith.addi %mul3A_2, %mul3A_531 : i32
      %mul3A_533 = arith.constant 8192 : i32
      %mul3A_534 = arith.muli %select_n3A_513, %mul3A_533 : i32
      %add3A_535 = arith.addi %mul3A_534, %add3A_532 : i32
      "tpu.region"() ({
        %run_scoped3A_546 = tpu.sem_alloc : memref<!tpu.dma_semaphore, #tpu.memory_space<semaphore_mem>>
        %dma_start3A_547 = tpu.memref_bitcast %arg5 : memref<819200x128xbf16, #tpu.memory_space<hbm>> -> memref<409600x128xi32, #tpu.memory_space<hbm>>
        %dma_start3A_548 = arith.constant 0 : i32
        %dma_start3A_549 = tpu.memref_slice %dma_start3A_547[%add3A_535, %dma_start3A_548] : memref<409600x128xi32, #tpu.memory_space<hbm>> -> memref<256x128xi32, #tpu.memory_space<hbm>>
        %dma_start3A_550 = tpu.memref_bitcast %arg5 : memref<819200x128xbf16, #tpu.memory_space<hbm>> -> memref<409600x128xi32, #tpu.memory_space<hbm>>
        %dma_start3A_551 = arith.constant 0 : i32
        %dma_start3A_552 = tpu.memref_slice %dma_start3A_550[%add3A_535, %dma_start3A_551] : memref<409600x128xi32, #tpu.memory_space<hbm>> -> memref<256x128xi32, #tpu.memory_space<hbm>>
        tpu.enqueue_dma source(%arg13 : memref<256x128xi32, #tpu.memory_space<vmem>>) target(%dma_start3A_552 : memref<256x128xi32, #tpu.memory_space<hbm>>) target_semaphore(%run_scoped3A_546 : memref<!tpu.dma_semaphore, #tpu.memory_space<semaphore_mem>>)
        %dma_wait3A_553 = tpu.memref_bitcast %arg5 : memref<819200x128xbf16, #tpu.memory_space<hbm>> -> memref<409600x128xi32, #tpu.memory_space<hbm>>
        %dma_wait3A_554 = arith.constant 0 : i32
        %dma_wait3A_555 = tpu.memref_slice %dma_wait3A_553[%add3A_535, %dma_wait3A_554] : memref<409600x128xi32, #tpu.memory_space<hbm>> -> memref<256x128xi32, #tpu.memory_space<hbm>>
        %dma_wait3A_556 = tpu.memref_bitcast %arg5 : memref<819200x128xbf16, #tpu.memory_space<hbm>> -> memref<409600x128xi32, #tpu.memory_space<hbm>>
        %dma_wait3A_557 = arith.constant 0 : i32
        %dma_wait3A_558 = tpu.memref_slice %dma_wait3A_556[%add3A_535, %dma_wait3A_557] : memref<409600x128xi32, #tpu.memory_space<hbm>> -> memref<256x128xi32, #tpu.memory_space<hbm>>
        tpu.wait_dma2 semaphore(%run_scoped3A_546 : memref<!tpu.dma_semaphore, #tpu.memory_space<semaphore_mem>>) src(%arg13 : memref<256x128xi32, #tpu.memory_space<vmem>>) dst(%dma_wait3A_558 : memref<256x128xi32, #tpu.memory_space<hbm>>)
        tpu.yield
      }) : () -> ()
      %lt3A_536 = arith.constant 48 : i32
      %lt3A_537 = arith.cmpi slt, %add3A_481, %lt3A_536 : i32
      %convert_element_type3A_538 = arith.extui %lt3A_537 : i1 to i32
      %cond3A_539 = arith.constant 0 : i32
      %cond3A_540 = arith.cmpi ne, %convert_element_type3A_538, %cond3A_539 : i32
      scf.if %cond3A_540 {
        %add3A_546 = arith.constant 2 : i32
        %add3A_547 = arith.addi %add3A_481, %add3A_546 : i32
        %jit3A_548 = arith.constant 1 : i32
        %div3A_549 = arith.divsi %add3A_547, %jit3A_548 : i32
        %sign3A_550 = arith.constant 0 : i32
        %sign3A_551 = arith.cmpi sgt, %add3A_547, %sign3A_550 : i32
        %sign3A_552 = arith.extui %sign3A_551 : i1 to i32
        %sign3A_553 = arith.constant 0 : i32
        %sign3A_554 = arith.cmpi slt, %add3A_547, %sign3A_553 : i32
        %sign3A_555 = arith.extui %sign3A_554 : i1 to i32
        %sign3A_556 = arith.subi %sign3A_552, %sign3A_555 : i32
        %sign3A_557 = arith.constant 0 : i32
        %sign3A_558 = arith.cmpi sgt, %jit3A_548, %sign3A_557 : i32
        %sign3A_559 = arith.extui %sign3A_558 : i1 to i32
        %sign3A_560 = arith.constant 0 : i32
        %sign3A_561 = arith.cmpi slt, %jit3A_548, %sign3A_560 : i32
        %sign3A_562 = arith.extui %sign3A_561 : i1 to i32
        %sign3A_563 = arith.subi %sign3A_559, %sign3A_562 : i32
        %ne3A_564 = arith.cmpi ne, %sign3A_556, %sign3A_563 : i32
        %rem3A_565 = arith.remsi %add3A_547, %jit3A_548 : i32
        %ne3A_566 = arith.constant 0 : i32
        %ne3A_567 = arith.cmpi ne, %rem3A_565, %ne3A_566 : i32
        %and3A_568 = arith.andi %ne3A_564, %ne3A_567 : i1
        %sub3A_569 = arith.constant 1 : i32
        %sub3A_570 = arith.subi %div3A_549, %sub3A_569 : i32
        %select_n3A_571 = arith.select %and3A_568, %sub3A_570, %div3A_549 : i32
        %jit3A_572 = arith.constant 1 : i32
        %eq3A_573 = arith.constant 0 : i32
        %eq3A_574 = arith.cmpi eq, %jit3A_572, %eq3A_573 : i32
        %jit3A_575 = arith.constant 1 : i32
        %select_n3A_576 = arith.select %eq3A_574, %jit3A_575, %jit3A_572 : i32
        %rem3A_577 = arith.remsi %add3A_547, %select_n3A_576 : i32
        %ne3A_578 = arith.constant 0 : i32
        %ne3A_579 = arith.cmpi ne, %rem3A_577, %ne3A_578 : i32
        %lt3A_580 = arith.constant 0 : i32
        %lt3A_581 = arith.cmpi slt, %rem3A_577, %lt3A_580 : i32
        %lt3A_582 = arith.constant 0 : i32
        %lt3A_583 = arith.cmpi slt, %select_n3A_576, %lt3A_582 : i32
        %ne3A_584 = arith.xori %lt3A_581, %lt3A_583 : i1
        %and3A_585 = arith.andi %ne3A_584, %ne3A_579 : i1
        %add3A_586 = arith.addi %rem3A_577, %select_n3A_576 : i32
        %select_n3A_587 = arith.select %and3A_585, %add3A_586, %rem3A_577 : i32
        %mul3A_588 = arith.constant 256 : i32
        %mul3A_589 = arith.muli %select_n3A_587, %mul3A_588 : i32
        %add3A_590 = arith.addi %mul3A_2, %mul3A_589 : i32
        %mul3A_591 = arith.constant 8192 : i32
        %mul3A_592 = arith.muli %select_n3A_571, %mul3A_591 : i32
        %add3A_593 = arith.addi %mul3A_592, %add3A_590 : i32
        %mul3A_594 = arith.constant 2 : i32
        %mul3A_595 = arith.muli %mul3A_594, %add3A_590 : i32
        "tpu.region"() ({
          %run_scoped3A_791 = tpu.sem_alloc : memref<!tpu.dma_semaphore, #tpu.memory_space<semaphore_mem>>
          %dma_start3A_792 = tpu.memref_slice %arg4[%select_n3A_571, %mul3A_595] : memref<50x16384xi32, #tpu.memory_space<hbm>> -> memref<1x512xi32, #tpu.memory_space<hbm>>
          %dma_start3A_793 = tpu.memref_squeeze %dma_start3A_792 : memref<1x512xi32, #tpu.memory_space<hbm>> -> memref<512xi32, #tpu.memory_space<hbm>>
          %dma_start3A_794 = tpu.memref_slice %arg4[%select_n3A_571, %mul3A_595] : memref<50x16384xi32, #tpu.memory_space<hbm>> -> memref<1x512xi32, #tpu.memory_space<hbm>>
          %dma_start3A_795 = tpu.memref_squeeze %dma_start3A_794 : memref<1x512xi32, #tpu.memory_space<hbm>> -> memref<512xi32, #tpu.memory_space<hbm>>
          tpu.enqueue_dma source(%dma_start3A_795 : memref<512xi32, #tpu.memory_space<hbm>>) target(%arg7 : memref<512xi32, #tpu.memory_space<vmem>>) target_semaphore(%run_scoped3A_791 : memref<!tpu.dma_semaphore, #tpu.memory_space<semaphore_mem>>)
          %dma_wait3A_796 = tpu.memref_slice %arg4[%select_n3A_571, %mul3A_595] : memref<50x16384xi32, #tpu.memory_space<hbm>> -> memref<1x512xi32, #tpu.memory_space<hbm>>
          %dma_wait3A_797 = tpu.memref_squeeze %dma_wait3A_796 : memref<1x512xi32, #tpu.memory_space<hbm>> -> memref<512xi32, #tpu.memory_space<hbm>>
          %dma_wait3A_798 = tpu.memref_slice %arg4[%select_n3A_571, %mul3A_595] : memref<50x16384xi32, #tpu.memory_space<hbm>> -> memref<1x512xi32, #tpu.memory_space<hbm>>
          %dma_wait3A_799 = tpu.memref_squeeze %dma_wait3A_798 : memref<1x512xi32, #tpu.memory_space<hbm>> -> memref<512xi32, #tpu.memory_space<hbm>>
          tpu.wait_dma2 semaphore(%run_scoped3A_791 : memref<!tpu.dma_semaphore, #tpu.memory_space<semaphore_mem>>) src(%dma_wait3A_799 : memref<512xi32, #tpu.memory_space<hbm>>) dst(%arg7 : memref<512xi32, #tpu.memory_space<vmem>>)
          tpu.yield
        }) : () -> ()
        %add3A_596 = arith.constant 0 : i32
        %add3A_597 = vector.broadcast %add3A_596 : i32 to vector<16xi32>
        %add3A_598 = arith.addi %mul3A_5, %add3A_597 : vector<16xi32>
        %gather3A_599 = tpu.vector_load_idx %arg7[%add3A_598] : memref<512xi32, #tpu.memory_space<vmem>>[vector<16xi32>], vector<16xi32>,
        %swap3A_600 = arith.constant 0 : index
        %swap3A_601 = tpu.vector_load %arg9[%swap3A_600] {strides = array<i32>} : memref<256xi32, #tpu.memory_space<vmem>>, vector<16xi32>,
        tpu.vector_store %arg9[%swap3A_600], %gather3A_599 {strides = array<i32>} : memref<256xi32, #tpu.memory_space<vmem>>, vector<16xi32>,
        %add3A_602 = arith.constant 1 : i32
        %add3A_603 = vector.broadcast %add3A_602 : i32 to vector<16xi32>
        %add3A_604 = arith.addi %add3A_598, %add3A_603 : vector<16xi32>
        %gather3A_605 = tpu.vector_load_idx %arg7[%add3A_604] : memref<512xi32, #tpu.memory_space<vmem>>[vector<16xi32>], vector<16xi32>,
        %swap3A_606 = arith.constant 0 : index
        %swap3A_607 = tpu.vector_load %arg11[%swap3A_606] {strides = array<i32>} : memref<256xi32, #tpu.memory_space<vmem>>, vector<16xi32>,
        tpu.vector_store %arg11[%swap3A_606], %gather3A_605 {strides = array<i32>} : memref<256xi32, #tpu.memory_space<vmem>>, vector<16xi32>,
        %add3A_608 = arith.constant 32 : i32
        %add3A_609 = vector.broadcast %add3A_608 : i32 to vector<16xi32>
        %add3A_610 = arith.addi %mul3A_5, %add3A_609 : vector<16xi32>
        %gather3A_611 = tpu.vector_load_idx %arg7[%add3A_610] : memref<512xi32, #tpu.memory_space<vmem>>[vector<16xi32>], vector<16xi32>,
        %swap3A_612 = arith.constant 16 : index
        %swap3A_613 = tpu.vector_load %arg9[%swap3A_612] {strides = array<i32>} : memref<256xi32, #tpu.memory_space<vmem>>, vector<16xi32>,
        tpu.vector_store %arg9[%swap3A_612], %gather3A_611 {strides = array<i32>} : memref<256xi32, #tpu.memory_space<vmem>>, vector<16xi32>,
        %add3A_614 = arith.constant 1 : i32
        %add3A_615 = vector.broadcast %add3A_614 : i32 to vector<16xi32>
        %add3A_616 = arith.addi %add3A_610, %add3A_615 : vector<16xi32>
        %gather3A_617 = tpu.vector_load_idx %arg7[%add3A_616] : memref<512xi32, #tpu.memory_space<vmem>>[vector<16xi32>], vector<16xi32>,
        %swap3A_618 = arith.constant 16 : index
        %swap3A_619 = tpu.vector_load %arg11[%swap3A_618] {strides = array<i32>} : memref<256xi32, #tpu.memory_space<vmem>>, vector<16xi32>,
        tpu.vector_store %arg11[%swap3A_618], %gather3A_617 {strides = array<i32>} : memref<256xi32, #tpu.memory_space<vmem>>, vector<16xi32>,
        %add3A_620 = arith.constant 64 : i32
        %add3A_621 = vector.broadcast %add3A_620 : i32 to vector<16xi32>
        %add3A_622 = arith.addi %mul3A_5, %add3A_621 : vector<16xi32>
        %gather3A_623 = tpu.vector_load_idx %arg7[%add3A_622] : memref<512xi32, #tpu.memory_space<vmem>>[vector<16xi32>], vector<16xi32>,
        %swap3A_624 = arith.constant 32 : index
        %swap3A_625 = tpu.vector_load %arg9[%swap3A_624] {strides = array<i32>} : memref<256xi32, #tpu.memory_space<vmem>>, vector<16xi32>,
        tpu.vector_store %arg9[%swap3A_624], %gather3A_623 {strides = array<i32>} : memref<256xi32, #tpu.memory_space<vmem>>, vector<16xi32>,
        %add3A_626 = arith.constant 1 : i32
        %add3A_627 = vector.broadcast %add3A_626 : i32 to vector<16xi32>
        %add3A_628 = arith.addi %add3A_622, %add3A_627 : vector<16xi32>
        %gather3A_629 = tpu.vector_load_idx %arg7[%add3A_628] : memref<512xi32, #tpu.memory_space<vmem>>[vector<16xi32>], vector<16xi32>,
        %swap3A_630 = arith.constant 32 : index
        %swap3A_631 = tpu.vector_load %arg11[%swap3A_630] {strides = array<i32>} : memref<256xi32, #tpu.memory_space<vmem>>, vector<16xi32>,
        tpu.vector_store %arg11[%swap3A_630], %gather3A_629 {strides = array<i32>} : memref<256xi32, #tpu.memory_space<vmem>>, vector<16xi32>,
        %add3A_632 = arith.constant 96 : i32
        %add3A_633 = vector.broadcast %add3A_632 : i32 to vector<16xi32>
        %add3A_634 = arith.addi %mul3A_5, %add3A_633 : vector<16xi32>
        %gather3A_635 = tpu.vector_load_idx %arg7[%add3A_634] : memref<512xi32, #tpu.memory_space<vmem>>[vector<16xi32>], vector<16xi32>,
        %swap3A_636 = arith.constant 48 : index
        %swap3A_637 = tpu.vector_load %arg9[%swap3A_636] {strides = array<i32>} : memref<256xi32, #tpu.memory_space<vmem>>, vector<16xi32>,
        tpu.vector_store %arg9[%swap3A_636], %gather3A_635 {strides = array<i32>} : memref<256xi32, #tpu.memory_space<vmem>>, vector<16xi32>,
        %add3A_638 = arith.constant 1 : i32
        %add3A_639 = vector.broadcast %add3A_638 : i32 to vector<16xi32>
        %add3A_640 = arith.addi %add3A_634, %add3A_639 : vector<16xi32>
        %gather3A_641 = tpu.vector_load_idx %arg7[%add3A_640] : memref<512xi32, #tpu.memory_space<vmem>>[vector<16xi32>], vector<16xi32>,
        %swap3A_642 = arith.constant 48 : index
        %swap3A_643 = tpu.vector_load %arg11[%swap3A_642] {strides = array<i32>} : memref<256xi32, #tpu.memory_space<vmem>>, vector<16xi32>,
        tpu.vector_store %arg11[%swap3A_642], %gather3A_641 {strides = array<i32>} : memref<256xi32, #tpu.memory_space<vmem>>, vector<16xi32>,
        %add3A_644 = arith.constant 128 : i32
        %add3A_645 = vector.broadcast %add3A_644 : i32 to vector<16xi32>
        %add3A_646 = arith.addi %mul3A_5, %add3A_645 : vector<16xi32>
        %gather3A_647 = tpu.vector_load_idx %arg7[%add3A_646] : memref<512xi32, #tpu.memory_space<vmem>>[vector<16xi32>], vector<16xi32>,
        %swap3A_648 = arith.constant 64 : index
        %swap3A_649 = tpu.vector_load %arg9[%swap3A_648] {strides = array<i32>} : memref<256xi32, #tpu.memory_space<vmem>>, vector<16xi32>,
        tpu.vector_store %arg9[%swap3A_648], %gather3A_647 {strides = array<i32>} : memref<256xi32, #tpu.memory_space<vmem>>, vector<16xi32>,
        %add3A_650 = arith.constant 1 : i32
        %add3A_651 = vector.broadcast %add3A_650 : i32 to vector<16xi32>
        %add3A_652 = arith.addi %add3A_646, %add3A_651 : vector<16xi32>
        %gather3A_653 = tpu.vector_load_idx %arg7[%add3A_652] : memref<512xi32, #tpu.memory_space<vmem>>[vector<16xi32>], vector<16xi32>,
        %swap3A_654 = arith.constant 64 : index
        %swap3A_655 = tpu.vector_load %arg11[%swap3A_654] {strides = array<i32>} : memref<256xi32, #tpu.memory_space<vmem>>, vector<16xi32>,
        tpu.vector_store %arg11[%swap3A_654], %gather3A_653 {strides = array<i32>} : memref<256xi32, #tpu.memory_space<vmem>>, vector<16xi32>,
        %add3A_656 = arith.constant 160 : i32
        %add3A_657 = vector.broadcast %add3A_656 : i32 to vector<16xi32>
        %add3A_658 = arith.addi %mul3A_5, %add3A_657 : vector<16xi32>
        %gather3A_659 = tpu.vector_load_idx %arg7[%add3A_658] : memref<512xi32, #tpu.memory_space<vmem>>[vector<16xi32>], vector<16xi32>,
        %swap3A_660 = arith.constant 80 : index
        %swap3A_661 = tpu.vector_load %arg9[%swap3A_660] {strides = array<i32>} : memref<256xi32, #tpu.memory_space<vmem>>, vector<16xi32>,
        tpu.vector_store %arg9[%swap3A_660], %gather3A_659 {strides = array<i32>} : memref<256xi32, #tpu.memory_space<vmem>>, vector<16xi32>,
        %add3A_662 = arith.constant 1 : i32
        %add3A_663 = vector.broadcast %add3A_662 : i32 to vector<16xi32>
        %add3A_664 = arith.addi %add3A_658, %add3A_663 : vector<16xi32>
        %gather3A_665 = tpu.vector_load_idx %arg7[%add3A_664] : memref<512xi32, #tpu.memory_space<vmem>>[vector<16xi32>], vector<16xi32>,
        %swap3A_666 = arith.constant 80 : index
        %swap3A_667 = tpu.vector_load %arg11[%swap3A_666] {strides = array<i32>} : memref<256xi32, #tpu.memory_space<vmem>>, vector<16xi32>,
        tpu.vector_store %arg11[%swap3A_666], %gather3A_665 {strides = array<i32>} : memref<256xi32, #tpu.memory_space<vmem>>, vector<16xi32>,
        %add3A_668 = arith.constant 192 : i32
        %add3A_669 = vector.broadcast %add3A_668 : i32 to vector<16xi32>
        %add3A_670 = arith.addi %mul3A_5, %add3A_669 : vector<16xi32>
        %gather3A_671 = tpu.vector_load_idx %arg7[%add3A_670] : memref<512xi32, #tpu.memory_space<vmem>>[vector<16xi32>], vector<16xi32>,
        %swap3A_672 = arith.constant 96 : index
        %swap3A_673 = tpu.vector_load %arg9[%swap3A_672] {strides = array<i32>} : memref<256xi32, #tpu.memory_space<vmem>>, vector<16xi32>,
        tpu.vector_store %arg9[%swap3A_672], %gather3A_671 {strides = array<i32>} : memref<256xi32, #tpu.memory_space<vmem>>, vector<16xi32>,
        %add3A_674 = arith.constant 1 : i32
        %add3A_675 = vector.broadcast %add3A_674 : i32 to vector<16xi32>
        %add3A_676 = arith.addi %add3A_670, %add3A_675 : vector<16xi32>
        %gather3A_677 = tpu.vector_load_idx %arg7[%add3A_676] : memref<512xi32, #tpu.memory_space<vmem>>[vector<16xi32>], vector<16xi32>,
        %swap3A_678 = arith.constant 96 : index
        %swap3A_679 = tpu.vector_load %arg11[%swap3A_678] {strides = array<i32>} : memref<256xi32, #tpu.memory_space<vmem>>, vector<16xi32>,
        tpu.vector_store %arg11[%swap3A_678], %gather3A_677 {strides = array<i32>} : memref<256xi32, #tpu.memory_space<vmem>>, vector<16xi32>,
        %add3A_680 = arith.constant 224 : i32
        %add3A_681 = vector.broadcast %add3A_680 : i32 to vector<16xi32>
        %add3A_682 = arith.addi %mul3A_5, %add3A_681 : vector<16xi32>
        %gather3A_683 = tpu.vector_load_idx %arg7[%add3A_682] : memref<512xi32, #tpu.memory_space<vmem>>[vector<16xi32>], vector<16xi32>,
        %swap3A_684 = arith.constant 112 : index
        %swap3A_685 = tpu.vector_load %arg9[%swap3A_684] {strides = array<i32>} : memref<256xi32, #tpu.memory_space<vmem>>, vector<16xi32>,
        tpu.vector_store %arg9[%swap3A_684], %gather3A_683 {strides = array<i32>} : memref<256xi32, #tpu.memory_space<vmem>>, vector<16xi32>,
        %add3A_686 = arith.constant 1 : i32
        %add3A_687 = vector.broadcast %add3A_686 : i32 to vector<16xi32>
        %add3A_688 = arith.addi %add3A_682, %add3A_687 : vector<16xi32>
        %gather3A_689 = tpu.vector_load_idx %arg7[%add3A_688] : memref<512xi32, #tpu.memory_space<vmem>>[vector<16xi32>], vector<16xi32>,
        %swap3A_690 = arith.constant 112 : index
        %swap3A_691 = tpu.vector_load %arg11[%swap3A_690] {strides = array<i32>} : memref<256xi32, #tpu.memory_space<vmem>>, vector<16xi32>,
        tpu.vector_store %arg11[%swap3A_690], %gather3A_689 {strides = array<i32>} : memref<256xi32, #tpu.memory_space<vmem>>, vector<16xi32>,
        %add3A_692 = arith.constant 256 : i32
        %add3A_693 = vector.broadcast %add3A_692 : i32 to vector<16xi32>
        %add3A_694 = arith.addi %mul3A_5, %add3A_693 : vector<16xi32>
        %gather3A_695 = tpu.vector_load_idx %arg7[%add3A_694] : memref<512xi32, #tpu.memory_space<vmem>>[vector<16xi32>], vector<16xi32>,
        %swap3A_696 = arith.constant 128 : index
        %swap3A_697 = tpu.vector_load %arg9[%swap3A_696] {strides = array<i32>} : memref<256xi32, #tpu.memory_space<vmem>>, vector<16xi32>,
        tpu.vector_store %arg9[%swap3A_696], %gather3A_695 {strides = array<i32>} : memref<256xi32, #tpu.memory_space<vmem>>, vector<16xi32>,
        %add3A_698 = arith.constant 1 : i32
        %add3A_699 = vector.broadcast %add3A_698 : i32 to vector<16xi32>
        %add3A_700 = arith.addi %add3A_694, %add3A_699 : vector<16xi32>
        %gather3A_701 = tpu.vector_load_idx %arg7[%add3A_700] : memref<512xi32, #tpu.memory_space<vmem>>[vector<16xi32>], vector<16xi32>,
        %swap3A_702 = arith.constant 128 : index
        %swap3A_703 = tpu.vector_load %arg11[%swap3A_702] {strides = array<i32>} : memref<256xi32, #tpu.memory_space<vmem>>, vector<16xi32>,
        tpu.vector_store %arg11[%swap3A_702], %gather3A_701 {strides = array<i32>} : memref<256xi32, #tpu.memory_space<vmem>>, vector<16xi32>,
        %add3A_704 = arith.constant 288 : i32
        %add3A_705 = vector.broadcast %add3A_704 : i32 to vector<16xi32>
        %add3A_706 = arith.addi %mul3A_5, %add3A_705 : vector<16xi32>
        %gather3A_707 = tpu.vector_load_idx %arg7[%add3A_706] : memref<512xi32, #tpu.memory_space<vmem>>[vector<16xi32>], vector<16xi32>,
        %swap3A_708 = arith.constant 144 : index
        %swap3A_709 = tpu.vector_load %arg9[%swap3A_708] {strides = array<i32>} : memref<256xi32, #tpu.memory_space<vmem>>, vector<16xi32>,
        tpu.vector_store %arg9[%swap3A_708], %gather3A_707 {strides = array<i32>} : memref<256xi32, #tpu.memory_space<vmem>>, vector<16xi32>,
        %add3A_710 = arith.constant 1 : i32
        %add3A_711 = vector.broadcast %add3A_710 : i32 to vector<16xi32>
        %add3A_712 = arith.addi %add3A_706, %add3A_711 : vector<16xi32>
        %gather3A_713 = tpu.vector_load_idx %arg7[%add3A_712] : memref<512xi32, #tpu.memory_space<vmem>>[vector<16xi32>], vector<16xi32>,
        %swap3A_714 = arith.constant 144 : index
        %swap3A_715 = tpu.vector_load %arg11[%swap3A_714] {strides = array<i32>} : memref<256xi32, #tpu.memory_space<vmem>>, vector<16xi32>,
        tpu.vector_store %arg11[%swap3A_714], %gather3A_713 {strides = array<i32>} : memref<256xi32, #tpu.memory_space<vmem>>, vector<16xi32>,
        %add3A_716 = arith.constant 320 : i32
        %add3A_717 = vector.broadcast %add3A_716 : i32 to vector<16xi32>
        %add3A_718 = arith.addi %mul3A_5, %add3A_717 : vector<16xi32>
        %gather3A_719 = tpu.vector_load_idx %arg7[%add3A_718] : memref<512xi32, #tpu.memory_space<vmem>>[vector<16xi32>], vector<16xi32>,
        %swap3A_720 = arith.constant 160 : index
        %swap3A_721 = tpu.vector_load %arg9[%swap3A_720] {strides = array<i32>} : memref<256xi32, #tpu.memory_space<vmem>>, vector<16xi32>,
        tpu.vector_store %arg9[%swap3A_720], %gather3A_719 {strides = array<i32>} : memref<256xi32, #tpu.memory_space<vmem>>, vector<16xi32>,
        %add3A_722 = arith.constant 1 : i32
        %add3A_723 = vector.broadcast %add3A_722 : i32 to vector<16xi32>
        %add3A_724 = arith.addi %add3A_718, %add3A_723 : vector<16xi32>
        %gather3A_725 = tpu.vector_load_idx %arg7[%add3A_724] : memref<512xi32, #tpu.memory_space<vmem>>[vector<16xi32>], vector<16xi32>,
        %swap3A_726 = arith.constant 160 : index
        %swap3A_727 = tpu.vector_load %arg11[%swap3A_726] {strides = array<i32>} : memref<256xi32, #tpu.memory_space<vmem>>, vector<16xi32>,
        tpu.vector_store %arg11[%swap3A_726], %gather3A_725 {strides = array<i32>} : memref<256xi32, #tpu.memory_space<vmem>>, vector<16xi32>,
        %add3A_728 = arith.constant 352 : i32
        %add3A_729 = vector.broadcast %add3A_728 : i32 to vector<16xi32>
        %add3A_730 = arith.addi %mul3A_5, %add3A_729 : vector<16xi32>
        %gather3A_731 = tpu.vector_load_idx %arg7[%add3A_730] : memref<512xi32, #tpu.memory_space<vmem>>[vector<16xi32>], vector<16xi32>,
        %swap3A_732 = arith.constant 176 : index
        %swap3A_733 = tpu.vector_load %arg9[%swap3A_732] {strides = array<i32>} : memref<256xi32, #tpu.memory_space<vmem>>, vector<16xi32>,
        tpu.vector_store %arg9[%swap3A_732], %gather3A_731 {strides = array<i32>} : memref<256xi32, #tpu.memory_space<vmem>>, vector<16xi32>,
        %add3A_734 = arith.constant 1 : i32
        %add3A_735 = vector.broadcast %add3A_734 : i32 to vector<16xi32>
        %add3A_736 = arith.addi %add3A_730, %add3A_735 : vector<16xi32>
        %gather3A_737 = tpu.vector_load_idx %arg7[%add3A_736] : memref<512xi32, #tpu.memory_space<vmem>>[vector<16xi32>], vector<16xi32>,
        %swap3A_738 = arith.constant 176 : index
        %swap3A_739 = tpu.vector_load %arg11[%swap3A_738] {strides = array<i32>} : memref<256xi32, #tpu.memory_space<vmem>>, vector<16xi32>,
        tpu.vector_store %arg11[%swap3A_738], %gather3A_737 {strides = array<i32>} : memref<256xi32, #tpu.memory_space<vmem>>, vector<16xi32>,
        %add3A_740 = arith.constant 384 : i32
        %add3A_741 = vector.broadcast %add3A_740 : i32 to vector<16xi32>
        %add3A_742 = arith.addi %mul3A_5, %add3A_741 : vector<16xi32>
        %gather3A_743 = tpu.vector_load_idx %arg7[%add3A_742] : memref<512xi32, #tpu.memory_space<vmem>>[vector<16xi32>], vector<16xi32>,
        %swap3A_744 = arith.constant 192 : index
        %swap3A_745 = tpu.vector_load %arg9[%swap3A_744] {strides = array<i32>} : memref<256xi32, #tpu.memory_space<vmem>>, vector<16xi32>,
        tpu.vector_store %arg9[%swap3A_744], %gather3A_743 {strides = array<i32>} : memref<256xi32, #tpu.memory_space<vmem>>, vector<16xi32>,
        %add3A_746 = arith.constant 1 : i32
        %add3A_747 = vector.broadcast %add3A_746 : i32 to vector<16xi32>
        %add3A_748 = arith.addi %add3A_742, %add3A_747 : vector<16xi32>
        %gather3A_749 = tpu.vector_load_idx %arg7[%add3A_748] : memref<512xi32, #tpu.memory_space<vmem>>[vector<16xi32>], vector<16xi32>,
        %swap3A_750 = arith.constant 192 : index
        %swap3A_751 = tpu.vector_load %arg11[%swap3A_750] {strides = array<i32>} : memref<256xi32, #tpu.memory_space<vmem>>, vector<16xi32>,
        tpu.vector_store %arg11[%swap3A_750], %gather3A_749 {strides = array<i32>} : memref<256xi32, #tpu.memory_space<vmem>>, vector<16xi32>,
        %add3A_752 = arith.constant 416 : i32
        %add3A_753 = vector.broadcast %add3A_752 : i32 to vector<16xi32>
        %add3A_754 = arith.addi %mul3A_5, %add3A_753 : vector<16xi32>
        %gather3A_755 = tpu.vector_load_idx %arg7[%add3A_754] : memref<512xi32, #tpu.memory_space<vmem>>[vector<16xi32>], vector<16xi32>,
        %swap3A_756 = arith.constant 208 : index
        %swap3A_757 = tpu.vector_load %arg9[%swap3A_756] {strides = array<i32>} : memref<256xi32, #tpu.memory_space<vmem>>, vector<16xi32>,
        tpu.vector_store %arg9[%swap3A_756], %gather3A_755 {strides = array<i32>} : memref<256xi32, #tpu.memory_space<vmem>>, vector<16xi32>,
        %add3A_758 = arith.constant 1 : i32
        %add3A_759 = vector.broadcast %add3A_758 : i32 to vector<16xi32>
        %add3A_760 = arith.addi %add3A_754, %add3A_759 : vector<16xi32>
        %gather3A_761 = tpu.vector_load_idx %arg7[%add3A_760] : memref<512xi32, #tpu.memory_space<vmem>>[vector<16xi32>], vector<16xi32>,
        %swap3A_762 = arith.constant 208 : index
        %swap3A_763 = tpu.vector_load %arg11[%swap3A_762] {strides = array<i32>} : memref<256xi32, #tpu.memory_space<vmem>>, vector<16xi32>,
        tpu.vector_store %arg11[%swap3A_762], %gather3A_761 {strides = array<i32>} : memref<256xi32, #tpu.memory_space<vmem>>, vector<16xi32>,
        %add3A_764 = arith.constant 448 : i32
        %add3A_765 = vector.broadcast %add3A_764 : i32 to vector<16xi32>
        %add3A_766 = arith.addi %mul3A_5, %add3A_765 : vector<16xi32>
        %gather3A_767 = tpu.vector_load_idx %arg7[%add3A_766] : memref<512xi32, #tpu.memory_space<vmem>>[vector<16xi32>], vector<16xi32>,
        %swap3A_768 = arith.constant 224 : index
        %swap3A_769 = tpu.vector_load %arg9[%swap3A_768] {strides = array<i32>} : memref<256xi32, #tpu.memory_space<vmem>>, vector<16xi32>,
        tpu.vector_store %arg9[%swap3A_768], %gather3A_767 {strides = array<i32>} : memref<256xi32, #tpu.memory_space<vmem>>, vector<16xi32>,
        %add3A_770 = arith.constant 1 : i32
        %add3A_771 = vector.broadcast %add3A_770 : i32 to vector<16xi32>
        %add3A_772 = arith.addi %add3A_766, %add3A_771 : vector<16xi32>
        %gather3A_773 = tpu.vector_load_idx %arg7[%add3A_772] : memref<512xi32, #tpu.memory_space<vmem>>[vector<16xi32>], vector<16xi32>,
        %swap3A_774 = arith.constant 224 : index
        %swap3A_775 = tpu.vector_load %arg11[%swap3A_774] {strides = array<i32>} : memref<256xi32, #tpu.memory_space<vmem>>, vector<16xi32>,
        tpu.vector_store %arg11[%swap3A_774], %gather3A_773 {strides = array<i32>} : memref<256xi32, #tpu.memory_space<vmem>>, vector<16xi32>,
        %add3A_776 = arith.constant 480 : i32
        %add3A_777 = vector.broadcast %add3A_776 : i32 to vector<16xi32>
        %add3A_778 = arith.addi %mul3A_5, %add3A_777 : vector<16xi32>
        %gather3A_779 = tpu.vector_load_idx %arg7[%add3A_778] : memref<512xi32, #tpu.memory_space<vmem>>[vector<16xi32>], vector<16xi32>,
        %swap3A_780 = arith.constant 240 : index
        %swap3A_781 = tpu.vector_load %arg9[%swap3A_780] {strides = array<i32>} : memref<256xi32, #tpu.memory_space<vmem>>, vector<16xi32>,
        tpu.vector_store %arg9[%swap3A_780], %gather3A_779 {strides = array<i32>} : memref<256xi32, #tpu.memory_space<vmem>>, vector<16xi32>,
        %add3A_782 = arith.constant 1 : i32
        %add3A_783 = vector.broadcast %add3A_782 : i32 to vector<16xi32>
        %add3A_784 = arith.addi %add3A_778, %add3A_783 : vector<16xi32>
        %gather3A_785 = tpu.vector_load_idx %arg7[%add3A_784] : memref<512xi32, #tpu.memory_space<vmem>>[vector<16xi32>], vector<16xi32>,
        %swap3A_786 = arith.constant 240 : index
        %swap3A_787 = tpu.vector_load %arg11[%swap3A_786] {strides = array<i32>} : memref<256xi32, #tpu.memory_space<vmem>>, vector<16xi32>,
        tpu.vector_store %arg11[%swap3A_786], %gather3A_785 {strides = array<i32>} : memref<256xi32, #tpu.memory_space<vmem>>, vector<16xi32>,
        %dma_start3A_788 = arith.constant 0 : i32
        %dma_start3A_789 = arith.constant 0 : i32
        %dma_start3A_790 = tpu.memref_slice %arg2[%dma_start3A_788, %dma_start3A_789] : memref<1000x128xi32, #tpu.memory_space<hbm>> -> memref<1000x128xi32, #tpu.memory_space<hbm>>
        tpu.enqueue_indirect_dma source(%dma_start3A_790 : memref<1000x128xi32, #tpu.memory_space<hbm>>) target(%arg13 : memref<256x128xi32, #tpu.memory_space<vmem>>) offsets(%arg9 : memref<256xi32, #tpu.memory_space<vmem>>) semaphore(%arg15 : memref<!tpu.dma_semaphore, #tpu.memory_space<semaphore_mem>>)
      } else {
      }
      %lt3A_541 = arith.constant 49 : i32
      %lt3A_542 = arith.cmpi slt, %add3A_481, %lt3A_541 : i32
      %convert_element_type3A_543 = arith.extui %lt3A_542 : i1 to i32
      %cond3A_544 = arith.constant 0 : i32
      %cond3A_545 = arith.cmpi ne, %convert_element_type3A_543, %cond3A_544 : i32
      scf.if %cond3A_545 {
        %dma_wait3A_546 = tpu.memref_bitcast %arg5 : memref<819200x128xbf16, #tpu.memory_space<hbm>> -> memref<409600x128xi32, #tpu.memory_space<hbm>>
        %dma_wait3A_547 = arith.constant 0 : i32
        %dma_wait3A_548 = arith.constant 0 : i32
        %dma_wait3A_549 = tpu.memref_slice %dma_wait3A_546[%dma_wait3A_547, %dma_wait3A_548] : memref<409600x128xi32, #tpu.memory_space<hbm>> -> memref<256x128xi32, #tpu.memory_space<hbm>>
        %dma_wait3A_550 = tpu.memref_bitcast %arg5 : memref<819200x128xbf16, #tpu.memory_space<hbm>> -> memref<409600x128xi32, #tpu.memory_space<hbm>>
        %dma_wait3A_551 = arith.constant 0 : i32
        %dma_wait3A_552 = arith.constant 0 : i32
        %dma_wait3A_553 = tpu.memref_slice %dma_wait3A_550[%dma_wait3A_551, %dma_wait3A_552] : memref<409600x128xi32, #tpu.memory_space<hbm>> -> memref<256x128xi32, #tpu.memory_space<hbm>>
        tpu.wait_dma2 semaphore(%arg14 : memref<!tpu.dma_semaphore, #tpu.memory_space<semaphore_mem>>) src(%dma_wait3A_553 : memref<256x128xi32, #tpu.memory_space<hbm>>) dst(%arg12 : memref<256x128xi32, #tpu.memory_space<vmem>>)
        %add3A_554 = arith.constant 1 : i32
        %add3A_555 = arith.addi %add3A_481, %add3A_554 : i32
        %dma_start3A_556 = arith.constant 0 : i32
        %dma_start3A_557 = arith.constant 0 : i32
        %dma_start3A_558 = tpu.memref_slice %arg3[%dma_start3A_556, %dma_start3A_557] : memref<1000x128xi32, #tpu.memory_space<hbm>> -> memref<1000x128xi32, #tpu.memory_space<hbm>>
        tpu.enqueue_indirect_dma source(%dma_start3A_558 : memref<1000x128xi32, #tpu.memory_space<hbm>>) target(%arg12 : memref<256x128xi32, #tpu.memory_space<vmem>>) offsets(%arg10 : memref<256xi32, #tpu.memory_space<vmem>>) semaphore(%arg16 : memref<!tpu.dma_semaphore, #tpu.memory_space<semaphore_mem>>) {add = true}
      } else {
      }
    }
    %scan3A_420 = arith.constant 25 : i32
    return
  }
}

</mosaic_0001>

<sc_bundles>
// kernel: kernel.3.cloned.1.call-start
scs
__scs_entry_jumppad:
0x0: {  	(pc) =	sbr.rel $0x88, $3  }
0x1: {  	(tag) =	ssettag $0x0;
	lr =	simm.s32 $0x1  }
0x2: {  	[smem:$0x3F9F] =	sst lr;
	_ =	strace $0xD0000000  }
0x3: {  	_ = 	snop  }
0x4: {  	_ = 	snop  }
0x5: {  	_ = 	snop  }
0x6: {  	_ = 	snop  }
0x7: {  	_ = 	snop  }
__scs_overlays_trampoline_lowered:
0x8: {  	[smem:$0x3FAE] =	sst s0  }
0x9: {  	[smem:$0x3FAF] =	sst s1  }
0xa: {  	[smem:$0x3FB0] =	sst s2  }
0xb: {  	[smem:$0x3FB1] =	sst s3  }
0xc: {  	[smem:$0x3FB2] =	sst s4  }
0xd: {  	[smem:$0x3FB3] =	sst s5  }
0xe: {  	[smem:$0x3FB4] =	sst s6  }
0xf: {  	[smem:$0x3FB5] =	sst s7  }
0x10: {  	[smem:$0x3FB6] =	sst s8  }
0x11: {  	[smem:$0x3FB7] =	sst s9;
	s0 =	simm.s32 @!p0 $0x0  }
0x12: {  	s1 =	sld [smem:$0x3F9D];
	s0 =	simm.s32 @p0 $0x1  }
0x13: {  	[smem:$0x3FB8] =	sst s0;
	s0 =	simm.s32 @!p1 $0x0  }
0x14: {  	s2 =	sld [smem:$0x3F9C];
	s0 =	simm.s32 @p1 $0x1  }
0x15: {  	[smem:$0x3FB9] =	sst s0;
	s0 =	simm.s32 @!p2 $0x0  }
0x16: {  	s3 =	sld [smem:$0x3FDB];
	s0 =	simm.s32 @p2 $0x1  }
0x17: {  	s4 =	simm.s32 $0x1BF5;
	[smem:$0x3FBB] =	sst s0  }
0x18: {  	s0 =	sld [smem:$0x3F9E];
	_ =	swait.ge [sflag:s4], $0x0  }
0x19: {  	s7 =	sld [smem:$0x3F9F]  }
0x1a: {  	s8 =	sadd.s32 $0xFFFFE003, lr  }
0x1b: {  	s9 =	sadd.s32 $0xFFFFFEF7, lr;
	s5 =	simm.s32 $0xFFFFFFFF;
	p2 =	slt.u32 s8, $0xFFFFF086  }
0x1c: {  	p1 =	slt.u32 s9, $0xF7A;
	s5 =	simm.s32 @!p2 $0x0  }
0x1d: {  	s5 =	simm.s32 @p1 $0x1;
	p0 =	seq.s32 s7, s2  }
0x1e: {  	s7 =	smul.u32 @!p0 $0xF7A, s2;
	p2 =	seq.s32 @!p0 s5, $0x0  }
0x1f: {  	s9 =	smul.u32 $0xF7A, s1;
	s8 =	simm.s32 @!p0 $0x1BF5;
	p2 =	por !p2, p0  }
0x20: {  	[sflag:s8] =	ssyncset.s32 @!p0 $0xFFFFF086;
	s6 =	sadd.s32 @!p0 s3, s7;
	s7 =	simm.s32 @!p0 $0x108  }
0x21: {  	s3 =	sadd.s32 s3, s9;
	s6 =	sadd.s32 @!p0 $0x88, s6;
	s7 =	simm.s32 @p2 $0x1082  }
0x22: {  	[simem:s7], [sflag:s8] =	dma.local @!p0 [hbm:s6], $0xF7A  }
0x23: {  	s9 =	sor.u32 $0xD0000000, s2;
	s6 =	simm.s32 $0x108;
	_ =	swait.ge @!p0 [sflag:s8], $0x0  }
0x24: {  	s3 =	sadd.s32 $0x88, s3;
	s6 =	simm.s32 @!p1 $0x1082;
	[sflag:s4] =	ssyncset.s32 $0xFFFFF086  }
0x25: {  	[simem:s6], [sflag:s4] =	dma.local [hbm:s3], $0xF7A  }
0x26: {  	[smem:$0x3F9F] =	sst s1;
	(tag) =	ssettag s2;
	_ =	strace s9  }
0x27: {  	s1 =	sld [smem:$0x3FAF]  }
0x28: {  	s2 =	sld [smem:$0x3FB0]  }
0x29: {  	s4 =	sld [smem:$0x3FB2]  }
0x2a: {  	p0 =	seq.s32 s5, $0x0;
	s5 =	sld [smem:$0x3FB3]  }
0x2b: {  	s6 =	sld [smem:$0x3FB4]  }
0x2c: {  	s7 =	sld [smem:$0x3FB5]  }
0x2d: {  	s3 =	simm.s32 $0x108;
	s8 =	sld [smem:$0x3FB6]  }
0x2e: {  	s3 =	simm.s32 @!p0 $0x1082;
	s9 =	sld [smem:$0x3FB7]  }
0x2f: {  	lr =	sadd.s32 s0, s3;
	s0 =	sld [smem:$0x3FAE]  }
0x30: {  	s3 =	sld [smem:$0x3FB1]  }
0x31: {  	[smem:$0x3FBA] =	sst s10  }
0x32: {  	s10 =	sld [smem:$0x3FB8];
	_ =	sdelay $0x3  }
0x33: {  	p0 =	seq.s32 s10, $0x1;
	s10 =	sld [smem:$0x3FBA];
	_ =	sdelay $0x3  }
0x34: {  	[smem:$0x3FBA] =	sst s10  }
0x35: {  	s10 =	sld [smem:$0x3FB9];
	_ =	sdelay $0x3  }
0x36: {  	p1 =	seq.s32 s10, $0x1;
	s10 =	sld [smem:$0x3FBA];
	_ =	sdelay $0x3  }
0x37: {  	[smem:$0x3FBA] =	sst s10  }
0x38: {  	s10 =	sld [smem:$0x3FBB]  }
0x39: {  	_ = 	snop;
	(pc) =	sbr.ind lr, $3  }
0x3a: {  	_ = 	snop  }
0x3b: {  	_ = 	snop  }
0x3c: {  	p2 =	seq.s32 s10, $0x1;
	s10 =	sld [smem:$0x3FBA]  }
0x3d: {  	_ =	shalt  }
0x3e: {  	_ =	shalt  }
0x3f: {  	_ =	shalt  }
0x40: {  	_ =	shalt  }
0x41: {  	_ =	shalt  }
0x42: {  	_ =	shalt  }
0x43: {  	_ =	shalt  }
0x44: {  	_ =	shalt  }
0x45: {  	_ =	shalt  }
0x46: {  	_ =	shalt  }
0x47: {  	_ =	shalt  }
0x48: {  	_ =	shalt  }
0x49: {  	_ =	shalt  }
0x4a: {  	_ =	shalt  }
0x4b: {  	_ =	shalt  }
0x4c: {  	_ =	shalt  }
0x4d: {  	_ =	shalt  }
0x4e: {  	_ =	shalt  }
0x4f: {  	_ =	shalt  }
0x50: {  	_ =	shalt  }
0x51: {  	_ =	shalt  }
0x52: {  	_ =	shalt  }
0x53: {  	_ =	shalt  }
0x54: {  	_ =	shalt  }
0x55: {  	_ =	shalt  }
0x56: {  	_ =	shalt  }
0x57: {  	_ =	shalt  }
0x58: {  	_ =	shalt  }
0x59: {  	_ =	shalt  }
0x5a: {  	_ =	shalt  }
0x5b: {  	_ =	shalt  }
0x5c: {  	_ =	shalt  }
0x5d: {  	_ =	shalt  }
0x5e: {  	_ =	shalt  }
0x5f: {  	_ =	shalt  }
0x60: {  	_ =	shalt  }
0x61: {  	_ =	shalt  }
0x62: {  	_ =	shalt  }
0x63: {  	_ =	shalt  }
0x64: {  	_ =	shalt  }
0x65: {  	_ =	shalt  }
0x66: {  	_ =	shalt  }
0x67: {  	_ =	shalt  }
0x68: {  	_ =	shalt  }
0x69: {  	_ =	shalt  }
0x6a: {  	_ =	shalt  }
0x6b: {  	_ =	shalt  }
0x6c: {  	_ =	shalt  }
0x6d: {  	_ =	shalt  }
0x6e: {  	_ =	shalt  }
0x6f: {  	_ =	shalt  }
0x70: {  	_ =	shalt  }
0x71: {  	_ =	shalt  }
0x72: {  	_ =	shalt  }
0x73: {  	_ =	shalt  }
0x74: {  	_ =	shalt  }
0x75: {  	_ =	shalt  }
0x76: {  	_ =	shalt  }
0x77: {  	_ =	shalt  }
0x78: {  	_ =	shalt  }
0x79: {  	_ =	shalt  }
0x7a: {  	_ =	shalt  }
0x7b: {  	_ =	shalt  }
0x7c: {  	_ =	shalt  }
0x7d: {  	_ =	shalt  }
0x7e: {  	_ =	shalt  }
0x7f: {  	_ =	shalt  }
0x80: {  	_ =	shalt  }
0x81: {  	_ =	shalt  }
0x82: {  	_ =	shalt  }
0x83: {  	_ =	shalt  }
0x84: {  	_ =	shalt  }
0x85: {  	_ =	shalt  }
0x86: {  	_ =	shalt  }
0x87: {  	_ =	shalt  }
.Lfunc_end0:
.L_simem_size_0:
called_computation_lowered:
.L_overlay_start_0:
0x88: {  	s2 =	sld [smem:$0x3FD9]  }
0x89: {  	s3 =	sld [smem:$0x3FFE];
	_ =	sdelay $0x1  }
0x8a: {  	s1 =	srdreg.scid  }
0x8b: {  	s0 =	sand.u32 $0x1, s1  }
0x8c: {  	s17 =	sshll.u32 s0, $0xA;
	s2 =	sadd.s32 s3, s2  }
0x8d: {  	s2 =	sadd.s32 s2, s17  }
0x8e: {  	[smem:$0x3FC6] =	sst s2  }
0x8f: {  	_ = 	snop  }
0x90: {  	s2 =	sld [smem:$0x3FC9]  }
0x91: {  	s18 =	sld [smem:$0x3FD0];
	(tm) =	ssettm $0x1  }
0x92: {  	s4 =	sld [smem:$0x3FFB];
	_ =	sdelay $0x3  }
0x93: {  	_ =	strace s4  }
0x94: {  	s4 =	sld [smem:$0x3FFC];
	_ =	sdelay $0x3  }
0x95: {  	_ =	strace s4  }
0x96: {  	s4 =	sld [smem:$0x3FFD];
	_ =	sdelay $0x3  }
0x97: {  	_ =	strace s4  }
0x98: {  	_ =	strace $0x8FFFFFFF  }
0x99: {  	s19 =	sld [smem:$0x3FDB];
	_ =	sdelay $0x1  }
0x9a: {  	s5 =	simm.s32 $_scs_section_size  }
0x9b: {  	s6 =	simm.s32 $_size__tile_overlayer_lowered;
	s7 =	simm.s32 $_tile_overlayer_lowered  }
0x9c: {  	s22 =	simm.s32 $0x1BFF;
	s21 =	sshll.u32 s7, $0x1;
	s4 =	sadd.s32 s5, s19  }
0x9d: {  	s8 =	simm.s32 $0x0;
	s20 =	sshll.u32 s6, $0x1;
	s6 =	sadd.s32 s21, s4  }
0x9e: {  	[timem:s8], [sflag:s22] =	dma.local [hbm:s6], s20  }
0x9f: {  	_ =	swait.ge [sflag:s22], s20  }
0xa0: {  	s5 =	ssub.s32 $0x0, s20;
	[sflag:s22] =	ssyncset.done $0x0  }
0xa1: {  	[sflag:s22] =	ssyncadd.s32 s5;
	_ =	sdelay $0x1  }
0xa2: {  	s23 =	simm.s32 $0x1B8B  }
0xa3: {  	_ =	swait.ge [sflag:s23], $0x1  }
0xa4: {  	[sflag:s23] =	ssyncset.done $0x0  }
0xa5: {  	s25 =	simm.s32 $0x1B8E;
	s24 =	sld [smem:$0x3FFE];
	[sflag:s23] =	ssyncadd.s32 $0xFFFFFFFF  }
0xa6: {  	s26 =	simm.s32 $execute0_lowered;
	[smem:$0x3FD2] =	sst s25  }
0xa7: {  	s6 =	sshll.u32 s26, $0x1;
	_ =	strace $0x80000046;
	[dreg:$0x1] =	wrdreg $0xFFFFFFFF  }
0xa8: {  	s28 =	simm.s32 $_size_execute0_lowered;
	s4 =	sadd.s32 s4, s6;
	[dreg:$0x0] =	wrdreg $0x0  }
0xa9: {  	s6 =	sshll.u32 s28, $0x1;
	[dreg:$0x2] =	wrdreg s4  }
0xaa: {  	[dreg:$0x3] =	wrdreg s6  }
0xab: {  	[dreg:$0x4] =	wrdreg $0xC0  }
0xac: {  	_ =	task [dreg:s8], $0x5FFFF  }
0xad: {  	[dreg:$0x1] =	wrdreg $0xFFFFFFFF  }
0xae: {  	[dreg:$0x0] =	wrdreg $0x60  }
0xaf: {  	[dreg:$0x2] =	wrdreg s24  }
0xb0: {  	[dreg:$0x3] =	wrdreg s2  }
0xb1: {  	[dreg:$0x4] =	wrdreg s18  }
0xb2: {  	[dreg:$0x5] =	wrdreg $0x9  }
0xb3: {  	_ =	task.clear_ibuf [dreg:s8], $0x6FFFF;
	_ =	strace $0x90000046  }
0xb4: {  	s29 =	simm.s32 $0x9;
	_ =	strace $0x80000048  }
0xb5: {  	_ =	swait.ge [sflag:s29], $0x1  }
0xb6: {  	[sflag:s29] =	ssyncadd.s32 $0xFFFFFFFF  }
0xb7: {  	_ =	strace $0x90000048  }
0xb8: {  	_ =	sfence  }
0xb9: {  	s30 =	sld [smem:$0x0];
	_ =	sdelay $0x2  }
0xba: {  	s31 =	sshll.u32 s1, $0xD;
	s1 =	sshrl.u32 s1, $0x2  }
0xbb: {  	s3 =	sand.u32 $0x4000, s31;
	s1 =	sadd.s32 s1, s30  }
0xbc: {  	s0 =	sor.u32 s3, s0;
	s1 =	sshll.u32 s1, $0x11  }
0xbd: {  	s0 =	sor.u32 s1, s0  }
0xbe: {  	s0 =	sadd.s32 $0x8F2B, s0  }
0xbf: {  	[sflag:s0] =	ssyncadd.remote.s32 $0x1  }
0xc0: {  	_ =	sfence.sel $0xFFFF  }
0xc1: {  	[dreg:$0x0] =	wrdreg $0xFFFFFFFF;
	(pc) =	sbr.abs _section_cstart, $3  }
0xc2: {  	[dreg:$0x1] =	wrdreg $0xFFFFFFFF  }
0xc3: {  	_ =	task.clear_ibuf [dreg:s8], $0x2FFFF;
	_ =	strace $0x9FFFFFFF  }
0xc4: {  	(tm) =	ssettm $0x7FFFFFFF  }
0xc5: {  	_ =	shalt  }
tec
execute0_lowered:
.L_overlay_start_1:
0x0: {  	(tag) =	ssettag $0x1  }
0x1: {  	s5 =	rddreg [dreg:$0x0]  }
0x2: {  	s1 =	rddreg [dreg:$0x1];
	v0 =	vlaneseq.u32  }
0x3: {  	s10 =	rddreg [dreg:$0x2];
	s3 =	simm.s32 $0x0;
	v0 =	vmul.u32 $0x2, v0  }
0x4: {  	s4 =	srdreg.scid;
	s2 =	stileid.u32;
	s14 =	simm.s32 $0x100  }
0x5: {  	s15 =	simm.s32 $0x800;
	s16 =	simm.s32 $0x200;
	s17 =	simm.s32 $0x500;
	v1 =	vor.u32 $0x1, v0  }
0x6: {  	s18 =	simm.s32 $0x8800;
	s19 =	simm.s32 $0x600;
	s20 =	simm.s32 $0x3;
	v2 =	vor.u32 $0x20, v0;
	v3 =	vor.u32 $0x21, v0;
	v4 =	vor.u32 $0x40, v0  }
0x7: {  	s21 =	simm.s32 $0x2;
	s22 =	simm.s32 $0x700;
	s23 =	simm.s32 $0x4;
	v5 =	vor.u32 $0x41, v0;
	v6 =	vor.u32 $0x60, v0;
	v7 =	vor.u32 $0x61, v0  }
0x8: {  	s24 =	simm.s32 $0x0;
	[smem:$0x7FF] =	sst s3;
	s11 =	sand.u32 $0x1, s4;
	v8 =	vor.u32 $0x80, v0;
	v9 =	vor.u32 $0x81, v0;
	v10 =	vor.u32 $0xA0, v0  }
0x9: {  	s31 =	sshll.u32 s2, $0x1;
	s4 =	sadd.s32 $0x4400, s5;
	s5 =	sadd.s32 $0x400, s5;
	v11 =	vor.u32 $0xA1, v0;
	v12 =	vor.u32 $0xC0, v0;
	v13 =	vor.u32 $0xC1, v0  }
0xa: {  	s13 =	sshll.u32 s2, $0xD;
	_ =	strace $0x80000047;
	s6 =	ssub.s32 $0x2, s11;
	v14 =	vor.u32 $0xE0, v0;
	v15 =	vor.u32 $0xE1, v0;
	v16 =	vor.u32 $0x100, v0  }
.Ltmp0:
0xb: {  	s7 =	sor.u32 s11, s31;
	s10 =	sadd.s32 s13, s10;
	v17 =	vor.u32 $0x101, v0;
	v18 =	vor.u32 $0x120, v0;
	v19 =	vor.u32 $0x121, v0;
	(pc) =	sbr.rel .LBB2_1-.Ltmp0, $4  }
0xc: {  	s11 =	sshll.u32 s11, $0xC;
	s13 =	simm.s32 $0x5;
	s8 =	sshrl.u32 s6, $0x1;
	v20 =	vor.u32 $0x140, v0;
	v21 =	vor.u32 $0x141, v0;
	v22 =	vor.u32 $0x160, v0  }
0xd: {  	s9 =	sshll.u32 s7, $0x9;
	s7 =	sshll.u32 s7, $0xC;
	s10 =	sadd.s32 s11, s10;
	v23 =	vor.u32 $0x161, v0;
	v24 =	vor.u32 $0x180, v0;
	v25 =	vor.u32 $0x181, v0  }
0xe: {  	s11 =	simm.s32 $0x80;
	v26 =	vor.u32 $0x1A0, v0;
	v27 =	vor.u32 $0x1A1, v0;
	v28 =	vor.u32 $0x1C0, v0;
	s12 =	ssub.s32 s6, s8;
	s6 =	sadd.s32 s1, s9  }
0xf: {  	v29 =	vor.u32 $0x1C1, v0;
	v30 =	vor.u32 $0x1E0, v0;
	v31 =	vor.u32 $0x1E1, v0;
	s8 =	sadd.s32 $0x10, s6;
	s9 =	smax.u32 s12, $0x1;
	s12 =	simm.s32 $0x400  }
.LBB2_7:
0x10: {  	s24 =	sadd.s32 $0x1, s24  }
0x11: {  	p0 =	sne.s32 s24, s9  }
.Ltmp1:
0x12: {  	_ = 	snop;
	(pc) =	sbr.rel @!p0 .LBB2_8-.Ltmp1, $1  }
0x13: {  	_ =	sdelay $0x3  }
.LBB2_1:
0x14: {  	[tilespmem:s3], [sflag:$0x5] =	stream.strided.gather [hbm4b:s6+s11], $0x200, s12, s11, $0x38;
	[tilespmem:$0x10800] =	vst v63  }
0x15: {  	_ =	swait.ge [sflag:s13], $0x200  }
0x16: {  	[sflag:s13] =	ssyncset.done $0x0  }
0x17: {  	[sflag:s13] =	ssyncadd.s32 $0xFFFFFE00  }
0x18: {  	v32 =	vld.idx.msk [tilespmem:v0+s3+$0x0], $0xffff;
	_ =	sdelay $0x4  }
0x19: {  	[tilespmem:$0x400] =	vst v32  }
0x1a: {  	v32 =	vld.idx.msk [tilespmem:v1+s3+$0x0], $0xffff;
	_ =	sdelay $0x4  }
0x1b: {  	[tilespmem:$0x600] =	vst v32  }
0x1c: {  	v32 =	vld.idx.msk [tilespmem:v2+s3+$0x0], $0xffff;
	_ =	sdelay $0x4  }
0x1d: {  	[tilespmem:$0x410] =	vst v32  }
0x1e: {  	v32 =	vld.idx.msk [tilespmem:v3+s3+$0x0], $0xffff;
	_ =	sdelay $0x4  }
0x1f: {  	[tilespmem:$0x610] =	vst v32  }
0x20: {  	v32 =	vld.idx.msk [tilespmem:v4+s3+$0x0], $0xffff;
	_ =	sdelay $0x4  }
0x21: {  	[tilespmem:$0x420] =	vst v32  }
0x22: {  	v32 =	vld.idx.msk [tilespmem:v5+s3+$0x0], $0xffff;
	_ =	sdelay $0x4  }
0x23: {  	[tilespmem:$0x620] =	vst v32  }
0x24: {  	v32 =	vld.idx.msk [tilespmem:v6+s3+$0x0], $0xffff;
	_ =	sdelay $0x4  }
0x25: {  	[tilespmem:$0x430] =	vst v32  }
0x26: {  	v32 =	vld.idx.msk [tilespmem:v7+s3+$0x0], $0xffff;
	_ =	sdelay $0x4  }
0x27: {  	[tilespmem:$0x630] =	vst v32  }
0x28: {  	v32 =	vld.idx.msk [tilespmem:v8+s3+$0x0], $0xffff;
	_ =	sdelay $0x4  }
0x29: {  	[tilespmem:$0x440] =	vst v32  }
0x2a: {  	v32 =	vld.idx.msk [tilespmem:v9+s3+$0x0], $0xffff;
	_ =	sdelay $0x4  }
0x2b: {  	[tilespmem:$0x640] =	vst v32  }
0x2c: {  	v32 =	vld.idx.msk [tilespmem:v10+s3+$0x0], $0xffff;
	_ =	sdelay $0x4  }
0x2d: {  	[tilespmem:$0x450] =	vst v32  }
0x2e: {  	v32 =	vld.idx.msk [tilespmem:v11+s3+$0x0], $0xffff;
	_ =	sdelay $0x4  }
0x2f: {  	[tilespmem:$0x650] =	vst v32  }
0x30: {  	v32 =	vld.idx.msk [tilespmem:v12+s3+$0x0], $0xffff;
	_ =	sdelay $0x4  }
0x31: {  	[tilespmem:$0x460] =	vst v32  }
0x32: {  	v32 =	vld.idx.msk [tilespmem:v13+s3+$0x0], $0xffff;
	_ =	sdelay $0x4  }
0x33: {  	[tilespmem:$0x660] =	vst v32  }
0x34: {  	v32 =	vld.idx.msk [tilespmem:v14+s3+$0x0], $0xffff;
	_ =	sdelay $0x4  }
0x35: {  	[tilespmem:$0x470] =	vst v32  }
0x36: {  	v32 =	vld.idx.msk [tilespmem:v15+s3+$0x0], $0xffff;
	_ =	sdelay $0x4  }
0x37: {  	[tilespmem:$0x670] =	vst v32  }
0x38: {  	v32 =	vld.idx.msk [tilespmem:v16+s3+$0x0], $0xffff;
	_ =	sdelay $0x4  }
0x39: {  	[tilespmem:$0x480] =	vst v32  }
0x3a: {  	v32 =	vld.idx.msk [tilespmem:v17+s3+$0x0], $0xffff;
	_ =	sdelay $0x4  }
0x3b: {  	[tilespmem:$0x680] =	vst v32  }
0x3c: {  	v32 =	vld.idx.msk [tilespmem:v18+s3+$0x0], $0xffff;
	_ =	sdelay $0x4  }
0x3d: {  	[tilespmem:$0x490] =	vst v32  }
0x3e: {  	v32 =	vld.idx.msk [tilespmem:v19+s3+$0x0], $0xffff;
	_ =	sdelay $0x4  }
0x3f: {  	[tilespmem:$0x690] =	vst v32  }
0x40: {  	v32 =	vld.idx.msk [tilespmem:v20+s3+$0x0], $0xffff;
	_ =	sdelay $0x4  }
0x41: {  	[tilespmem:$0x4A0] =	vst v32  }
0x42: {  	v32 =	vld.idx.msk [tilespmem:v21+s3+$0x0], $0xffff;
	_ =	sdelay $0x4  }
0x43: {  	[tilespmem:$0x6A0] =	vst v32  }
0x44: {  	v32 =	vld.idx.msk [tilespmem:v22+s3+$0x0], $0xffff;
	_ =	sdelay $0x4  }
0x45: {  	[tilespmem:$0x4B0] =	vst v32  }
0x46: {  	v32 =	vld.idx.msk [tilespmem:v23+s3+$0x0], $0xffff;
	_ =	sdelay $0x4  }
0x47: {  	[tilespmem:$0x6B0] =	vst v32  }
0x48: {  	v32 =	vld.idx.msk [tilespmem:v24+s3+$0x0], $0xffff;
	_ =	sdelay $0x4  }
0x49: {  	[tilespmem:$0x4C0] =	vst v32  }
0x4a: {  	v32 =	vld.idx.msk [tilespmem:v25+s3+$0x0], $0xffff;
	_ =	sdelay $0x4  }
0x4b: {  	[tilespmem:$0x6C0] =	vst v32  }
0x4c: {  	v32 =	vld.idx.msk [tilespmem:v26+s3+$0x0], $0xffff;
	_ =	sdelay $0x4  }
0x4d: {  	[tilespmem:$0x4D0] =	vst v32  }
0x4e: {  	v32 =	vld.idx.msk [tilespmem:v27+s3+$0x0], $0xffff;
	_ =	sdelay $0x4  }
0x4f: {  	[tilespmem:$0x6D0] =	vst v32  }
0x50: {  	v32 =	vld.idx.msk [tilespmem:v28+s3+$0x0], $0xffff;
	_ =	sdelay $0x4  }
0x51: {  	[tilespmem:$0x4E0] =	vst v32  }
0x52: {  	v32 =	vld.idx.msk [tilespmem:v29+s3+$0x0], $0xffff;
	_ =	sdelay $0x4  }
0x53: {  	[tilespmem:$0x6E0] =	vst v32  }
0x54: {  	v32 =	vld.idx.msk [tilespmem:v30+s3+$0x0], $0xffff;
	_ =	sdelay $0x4  }
0x55: {  	[tilespmem:$0x4F0] =	vst v32  }
0x56: {  	v32 =	vld.idx.msk [tilespmem:v31+s3+$0x0], $0xffff;
	_ =	sdelay $0x4  }
0x57: {  	[tilespmem:$0x6F0] =	vst v32  }
0x58: {  	[tilespmem:s15], [sflag:$0x1] =	stream.indirect.gather [hbm4b:s4+s14], $0x80, s12, s14, $0xb8;
	[tilespmem:$0x10800] =	vst v63  }
0x59: {  	_ = 	snop  }
0x5a: {  	[tilespmem:s16], [sflag:$0x5] =	stream.strided.gather [hbm4b:s8+s11], $0x200, s12, s11, $0x38;
	[tilespmem:$0x10800] =	vst v63  }
0x5b: {  	_ =	swait.ge [sflag:s13], $0x200  }
0x5c: {  	[sflag:s13] =	ssyncset.done $0x0  }
0x5d: {  	[sflag:s13] =	ssyncadd.s32 $0xFFFFFE00  }
0x5e: {  	v63 =	vld.idx.msk [tilespmem:v0+s16+$0x0], $0xffff;
	_ =	sdelay $0x4  }
0x5f: {  	[tilespmem:$0x500] =	vst v63  }
0x60: {  	v32 =	vld.idx.msk [tilespmem:v1+s16+$0x0], $0xffff;
	_ =	sdelay $0x4  }
0x61: {  	[tilespmem:$0x700] =	vst v32  }
0x62: {  	v32 =	vld.idx.msk [tilespmem:v2+s16+$0x0], $0xffff;
	_ =	sdelay $0x4  }
0x63: {  	[tilespmem:$0x510] =	vst v32  }
0x64: {  	v32 =	vld.idx.msk [tilespmem:v3+s16+$0x0], $0xffff;
	_ =	sdelay $0x4  }
0x65: {  	[tilespmem:$0x710] =	vst v32  }
0x66: {  	v32 =	vld.idx.msk [tilespmem:v4+s16+$0x0], $0xffff;
	_ =	sdelay $0x4  }
0x67: {  	[tilespmem:$0x520] =	vst v32  }
0x68: {  	v32 =	vld.idx.msk [tilespmem:v5+s16+$0x0], $0xffff;
	_ =	sdelay $0x4  }
0x69: {  	[tilespmem:$0x720] =	vst v32  }
0x6a: {  	v32 =	vld.idx.msk [tilespmem:v6+s16+$0x0], $0xffff;
	_ =	sdelay $0x4  }
0x6b: {  	[tilespmem:$0x530] =	vst v32  }
0x6c: {  	v32 =	vld.idx.msk [tilespmem:v7+s16+$0x0], $0xffff;
	_ =	sdelay $0x4  }
0x6d: {  	[tilespmem:$0x730] =	vst v32  }
0x6e: {  	v32 =	vld.idx.msk [tilespmem:v8+s16+$0x0], $0xffff;
	_ =	sdelay $0x4  }
0x6f: {  	[tilespmem:$0x540] =	vst v32  }
0x70: {  	v32 =	vld.idx.msk [tilespmem:v9+s16+$0x0], $0xffff;
	_ =	sdelay $0x4  }
0x71: {  	[tilespmem:$0x740] =	vst v32  }
0x72: {  	v32 =	vld.idx.msk [tilespmem:v10+s16+$0x0], $0xffff;
	_ =	sdelay $0x4  }
0x73: {  	[tilespmem:$0x550] =	vst v32  }
0x74: {  	v32 =	vld.idx.msk [tilespmem:v11+s16+$0x0], $0xffff;
	_ =	sdelay $0x4  }
0x75: {  	[tilespmem:$0x750] =	vst v32  }
0x76: {  	v32 =	vld.idx.msk [tilespmem:v12+s16+$0x0], $0xffff;
	_ =	sdelay $0x4  }
0x77: {  	[tilespmem:$0x560] =	vst v32  }
0x78: {  	v32 =	vld.idx.msk [tilespmem:v13+s16+$0x0], $0xffff;
	_ =	sdelay $0x4  }
0x79: {  	[tilespmem:$0x760] =	vst v32  }
0x7a: {  	v32 =	vld.idx.msk [tilespmem:v14+s16+$0x0], $0xffff;
	_ =	sdelay $0x4  }
0x7b: {  	[tilespmem:$0x570] =	vst v32  }
0x7c: {  	v32 =	vld.idx.msk [tilespmem:v15+s16+$0x0], $0xffff;
	_ =	sdelay $0x4  }
0x7d: {  	[tilespmem:$0x770] =	vst v32  }
0x7e: {  	v32 =	vld.idx.msk [tilespmem:v16+s16+$0x0], $0xffff;
	_ =	sdelay $0x4  }
0x7f: {  	[tilespmem:$0x580] =	vst v32  }
0x80: {  	v32 =	vld.idx.msk [tilespmem:v17+s16+$0x0], $0xffff;
	_ =	sdelay $0x4  }
0x81: {  	[tilespmem:$0x780] =	vst v32  }
0x82: {  	v32 =	vld.idx.msk [tilespmem:v18+s16+$0x0], $0xffff;
	_ =	sdelay $0x4  }
0x83: {  	[tilespmem:$0x590] =	vst v32  }
0x84: {  	v32 =	vld.idx.msk [tilespmem:v19+s16+$0x0], $0xffff;
	_ =	sdelay $0x4  }
0x85: {  	[tilespmem:$0x790] =	vst v32  }
0x86: {  	v32 =	vld.idx.msk [tilespmem:v20+s16+$0x0], $0xffff;
	_ =	sdelay $0x4  }
0x87: {  	[tilespmem:$0x5A0] =	vst v32  }
0x88: {  	v32 =	vld.idx.msk [tilespmem:v21+s16+$0x0], $0xffff;
	_ =	sdelay $0x4  }
0x89: {  	[tilespmem:$0x7A0] =	vst v32  }
0x8a: {  	v32 =	vld.idx.msk [tilespmem:v22+s16+$0x0], $0xffff;
	_ =	sdelay $0x4  }
0x8b: {  	[tilespmem:$0x5B0] =	vst v32  }
0x8c: {  	v32 =	vld.idx.msk [tilespmem:v23+s16+$0x0], $0xffff;
	_ =	sdelay $0x4  }
0x8d: {  	[tilespmem:$0x7B0] =	vst v32  }
0x8e: {  	v32 =	vld.idx.msk [tilespmem:v24+s16+$0x0], $0xffff;
	_ =	sdelay $0x4  }
0x8f: {  	[tilespmem:$0x5C0] =	vst v32  }
0x90: {  	v32 =	vld.idx.msk [tilespmem:v25+s16+$0x0], $0xffff;
	_ =	sdelay $0x4  }
0x91: {  	[tilespmem:$0x7C0] =	vst v32  }
0x92: {  	v32 =	vld.idx.msk [tilespmem:v26+s16+$0x0], $0xffff;
	_ =	sdelay $0x4  }
0x93: {  	[tilespmem:$0x5D0] =	vst v32  }
0x94: {  	v32 =	vld.idx.msk [tilespmem:v27+s16+$0x0], $0xffff;
	_ =	sdelay $0x4  }
0x95: {  	[tilespmem:$0x7D0] =	vst v32  }
0x96: {  	v32 =	vld.idx.msk [tilespmem:v28+s16+$0x0], $0xffff;
	_ =	sdelay $0x4  }
0x97: {  	[tilespmem:$0x5E0] =	vst v32  }
0x98: {  	v32 =	vld.idx.msk [tilespmem:v29+s16+$0x0], $0xffff;
	_ =	sdelay $0x4  }
0x99: {  	[tilespmem:$0x7E0] =	vst v32  }
0x9a: {  	v32 =	vld.idx.msk [tilespmem:v30+s16+$0x0], $0xffff;
	_ =	sdelay $0x4  }
0x9b: {  	[tilespmem:$0x5F0] =	vst v32  }
0x9c: {  	v32 =	vld.idx.msk [tilespmem:v31+s16+$0x0], $0xffff;
	_ =	sdelay $0x4  }
0x9d: {  	[tilespmem:$0x7F0] =	vst v32  }
0x9e: {  	[tilespmem:s18], [sflag:$0x2] =	stream.indirect.gather [hbm4b:s4+s14], $0x80, s17, s14, $0xb8;
	[tilespmem:$0x10800] =	vst v63  }
.Ltmp2:
0x9f: {  	s25 =	simm.s32 $0x1;
	(pc) =	sbr.rel .LBB2_2-.Ltmp2, $4  }
0xa0: {  	_ =	swait.ge [sflag:s25], $0x8000  }
0xa1: {  	s26 =	simm.s32 $0x180;
	[sflag:s25] =	ssyncset.done $0x0  }
0xa2: {  	s28 =	simm.s32 $0xC000;
	s29 =	smov.u32 s10;
	[sflag:s25] =	ssyncadd.s32 $0xFFFF8000  }
0xa3: {  	[tilespmem:s15], [sflag:$0x3] =	stream.indirect.gather.add.s32 [hbm:s5], $0x80, s19, s14, $0xb8;
	[tilespmem:$0x10800] =	vst v63  }
.LBB2_6:
0xa4: {  	p0 =	sgt.u32 s25, $0x30  }
0xa5: {  	s30 =	simm.s32 @!p0 $0x1  }
0xa6: {  	_ =	swait.ge @!p0 [sflag:s30], $0x8000  }
0xa7: {  	s26 =	sadd.s32 $0x100, s26;
	s31 =	simm.s32 @!p0 $0x600;
	[sflag:s30] =	ssyncset.done @!p0 $0x0  }
0xa8: {  	s0 =	simm.s32 @!p0 $0x800;
	[sflag:s30] =	ssyncadd.s32 @!p0 $0xFFFF8000;
	s30 =	simm.s32 @!p0 $0x100  }
0xa9: {  	[tilespmem:s0], [sflag:$0x3] =	stream.indirect.gather.add.s32 @!p0 [hbm:s5], $0x80, s31, s30, $0xb8;
	[tilespmem:$0x10800] =	vst v63  }
0xaa: {  	p0 =	sne.s32 s26, $0x1A80  }
.Ltmp3:
0xab: {  	_ = 	snop;
	(pc) =	sbr.rel @!p0 .LBB2_7-.Ltmp3, $2  }
0xac: {  	_ =	sdelay $0x2  }
0xad: {  	s29 =	sadd.s32 $0x40000, s29;
	s28 =	sadd.s32 $0x8000, s28;
	s25 =	sadd.s32 $0x2, s25  }
.LBB2_2:
0xae: {  	_ =	swait.ge [sflag:s20], $0x8000  }
0xaf: {  	p0 =	seq.s32 s26, $0x1980;
	[sflag:s20] =	ssyncset.done $0x0  }
.Ltmp4:
0xb0: {  	[sflag:s20] =	ssyncadd.s32 $0xFFFF8000;
	(pc) =	sbr.rel @p0 .LBB2_4-.Ltmp4, $4  }
0xb1: {  	[hbm4b:s29+s3] =	stream.linear.scatter [tilespmem:s15], [sflag:$0x5], $0x8000, $0x38;
	[tilespmem:$0x10800] =	vst v63  }
0xb2: {  	_ =	swait.ge [sflag:s13], $0x8000  }
0xb3: {  	[sflag:s13] =	ssyncset.done $0x0  }
0xb4: {  	[sflag:s13] =	ssyncadd.s32 $0xFFFF8000  }
0xb5: {  	s30 =	sadd.s32 $0xFFFFFF80, s26;
	s31 =	sadd.s32 $0xFFFFC000, s28  }
0xb6: {  	s30 =	sand.u32 $0x300, s30;
	s31 =	sand.u32 $0x1E0000, s31  }
0xb7: {  	s30 =	sor.u32 s31, s30  }
0xb8: {  	s30 =	sor.u32 s7, s30  }
0xb9: {  	s30 =	sshrl.u32 s30, $0x3  }
0xba: {  	s30 =	sadd.s32 s1, s30  }
0xbb: {  	[tilespmem:s3], [sflag:$0x5] =	stream.strided.gather [hbm4b:s30+s11], $0x200, s12, s11, $0x38;
	[tilespmem:$0x10800] =	vst v63  }
0xbc: {  	_ =	swait.ge [sflag:s13], $0x200  }
0xbd: {  	[sflag:s13] =	ssyncset.done $0x0  }
0xbe: {  	[sflag:s13] =	ssyncadd.s32 $0xFFFFFE00  }
0xbf: {  	v32 =	vld.idx.msk [tilespmem:v0+s3+$0x0], $0xffff;
	_ =	sdelay $0x4  }
0xc0: {  	[tilespmem:$0x400] =	vst v32  }
0xc1: {  	v32 =	vld.idx.msk [tilespmem:v1+s3+$0x0], $0xffff;
	_ =	sdelay $0x4  }
0xc2: {  	[tilespmem:$0x600] =	vst v32  }
0xc3: {  	v32 =	vld.idx.msk [tilespmem:v2+s3+$0x0], $0xffff;
	_ =	sdelay $0x4  }
0xc4: {  	[tilespmem:$0x410] =	vst v32  }
0xc5: {  	v32 =	vld.idx.msk [tilespmem:v3+s3+$0x0], $0xffff;
	_ =	sdelay $0x4  }
0xc6: {  	[tilespmem:$0x610] =	vst v32  }
0xc7: {  	v32 =	vld.idx.msk [tilespmem:v4+s3+$0x0], $0xffff;
	_ =	sdelay $0x4  }
0xc8: {  	[tilespmem:$0x420] =	vst v32  }
0xc9: {  	v32 =	vld.idx.msk [tilespmem:v5+s3+$0x0], $0xffff;
	_ =	sdelay $0x4  }
0xca: {  	[tilespmem:$0x620] =	vst v32  }
0xcb: {  	v32 =	vld.idx.msk [tilespmem:v6+s3+$0x0], $0xffff;
	_ =	sdelay $0x4  }
0xcc: {  	[tilespmem:$0x430] =	vst v32  }
0xcd: {  	v32 =	vld.idx.msk [tilespmem:v7+s3+$0x0], $0xffff;
	_ =	sdelay $0x4  }
0xce: {  	[tilespmem:$0x630] =	vst v32  }
0xcf: {  	v32 =	vld.idx.msk [tilespmem:v8+s3+$0x0], $0xffff;
	_ =	sdelay $0x4  }
0xd0: {  	[tilespmem:$0x440] =	vst v32  }
0xd1: {  	v32 =	vld.idx.msk [tilespmem:v9+s3+$0x0], $0xffff;
	_ =	sdelay $0x4  }
0xd2: {  	[tilespmem:$0x640] =	vst v32  }
0xd3: {  	v32 =	vld.idx.msk [tilespmem:v10+s3+$0x0], $0xffff;
	_ =	sdelay $0x4  }
0xd4: {  	[tilespmem:$0x450] =	vst v32  }
0xd5: {  	v32 =	vld.idx.msk [tilespmem:v11+s3+$0x0], $0xffff;
	_ =	sdelay $0x4  }
0xd6: {  	[tilespmem:$0x650] =	vst v32  }
0xd7: {  	v32 =	vld.idx.msk [tilespmem:v12+s3+$0x0], $0xffff;
	_ =	sdelay $0x4  }
0xd8: {  	[tilespmem:$0x460] =	vst v32  }
0xd9: {  	v32 =	vld.idx.msk [tilespmem:v13+s3+$0x0], $0xffff;
	_ =	sdelay $0x4  }
0xda: {  	[tilespmem:$0x660] =	vst v32  }
0xdb: {  	v32 =	vld.idx.msk [tilespmem:v14+s3+$0x0], $0xffff;
	_ =	sdelay $0x4  }
0xdc: {  	[tilespmem:$0x470] =	vst v32  }
0xdd: {  	v32 =	vld.idx.msk [tilespmem:v15+s3+$0x0], $0xffff;
	_ =	sdelay $0x4  }
0xde: {  	[tilespmem:$0x670] =	vst v32  }
0xdf: {  	v32 =	vld.idx.msk [tilespmem:v16+s3+$0x0], $0xffff;
	_ =	sdelay $0x4  }
0xe0: {  	[tilespmem:$0x480] =	vst v32  }
0xe1: {  	v32 =	vld.idx.msk [tilespmem:v17+s3+$0x0], $0xffff;
	_ =	sdelay $0x4  }
0xe2: {  	[tilespmem:$0x680] =	vst v32  }
0xe3: {  	v32 =	vld.idx.msk [tilespmem:v18+s3+$0x0], $0xffff;
	_ =	sdelay $0x4  }
0xe4: {  	[tilespmem:$0x490] =	vst v32  }
0xe5: {  	v32 =	vld.idx.msk [tilespmem:v19+s3+$0x0], $0xffff;
	_ =	sdelay $0x4  }
0xe6: {  	[tilespmem:$0x690] =	vst v32  }
0xe7: {  	v32 =	vld.idx.msk [tilespmem:v20+s3+$0x0], $0xffff;
	_ =	sdelay $0x4  }
0xe8: {  	[tilespmem:$0x4A0] =	vst v32  }
0xe9: {  	v32 =	vld.idx.msk [tilespmem:v21+s3+$0x0], $0xffff;
	_ =	sdelay $0x4  }
0xea: {  	[tilespmem:$0x6A0] =	vst v32  }
0xeb: {  	v32 =	vld.idx.msk [tilespmem:v22+s3+$0x0], $0xffff;
	_ =	sdelay $0x4  }
0xec: {  	[tilespmem:$0x4B0] =	vst v32  }
0xed: {  	v32 =	vld.idx.msk [tilespmem:v23+s3+$0x0], $0xffff;
	_ =	sdelay $0x4  }
0xee: {  	[tilespmem:$0x6B0] =	vst v32  }
0xef: {  	v32 =	vld.idx.msk [tilespmem:v24+s3+$0x0], $0xffff;
	_ =	sdelay $0x4  }
0xf0: {  	[tilespmem:$0x4C0] =	vst v32  }
0xf1: {  	v32 =	vld.idx.msk [tilespmem:v25+s3+$0x0], $0xffff;
	_ =	sdelay $0x4  }
0xf2: {  	[tilespmem:$0x6C0] =	vst v32  }
0xf3: {  	v32 =	vld.idx.msk [tilespmem:v26+s3+$0x0], $0xffff;
	_ =	sdelay $0x4  }
0xf4: {  	[tilespmem:$0x4D0] =	vst v32  }
0xf5: {  	v32 =	vld.idx.msk [tilespmem:v27+s3+$0x0], $0xffff;
	_ =	sdelay $0x4  }
0xf6: {  	[tilespmem:$0x6D0] =	vst v32  }
0xf7: {  	v32 =	vld.idx.msk [tilespmem:v28+s3+$0x0], $0xffff;
	_ =	sdelay $0x4  }
0xf8: {  	[tilespmem:$0x4E0] =	vst v32  }
0xf9: {  	v32 =	vld.idx.msk [tilespmem:v29+s3+$0x0], $0xffff;
	_ =	sdelay $0x4  }
0xfa: {  	[tilespmem:$0x6E0] =	vst v32  }
0xfb: {  	v32 =	vld.idx.msk [tilespmem:v30+s3+$0x0], $0xffff;
	_ =	sdelay $0x4  }
0xfc: {  	[tilespmem:$0x4F0] =	vst v32  }
0xfd: {  	v32 =	vld.idx.msk [tilespmem:v31+s3+$0x0], $0xffff;
	_ =	sdelay $0x4  }
0xfe: {  	[tilespmem:$0x6F0] =	vst v32  }
0xff: {  	[tilespmem:s15], [sflag:$0x1] =	stream.indirect.gather [hbm4b:s4+s14], $0x80, s12, s14, $0xb8;
	[tilespmem:$0x10800] =	vst v63  }
.LBB2_4:
0x100: {  	_ =	swait.ge [sflag:s21], $0x8000  }
0x101: {  	[sflag:s21] =	ssyncset.done $0x0  }
0x102: {  	[sflag:s21] =	ssyncadd.s32 $0xFFFF8000  }
0x103: {  	[tilespmem:s18], [sflag:$0x4] =	stream.indirect.gather.add.s32 [hbm:s5], $0x80, s22, s14, $0xb8;
	[tilespmem:$0x10800] =	vst v63  }
0x104: {  	_ =	swait.ge [sflag:s23], $0x8000  }
0x105: {  	[sflag:s23] =	ssyncset.done $0x0  }
.Ltmp5:
0x106: {  	s30 =	sadd.s32 $0x20000, s29;
	[sflag:s23] =	ssyncadd.s32 $0xFFFF8000;
	(pc) =	sbr.rel @p0 .LBB2_6-.Ltmp5, $4  }
0x107: {  	[hbm4b:s30+s3] =	stream.linear.scatter [tilespmem:s18], [sflag:$0x5], $0x8000, $0x38;
	[tilespmem:$0x10800] =	vst v63  }
0x108: {  	_ =	swait.ge [sflag:s13], $0x8000  }
0x109: {  	[sflag:s13] =	ssyncset.done $0x0  }
0x10a: {  	[sflag:s13] =	ssyncadd.s32 $0xFFFF8000  }
0x10b: {  	s30 =	sand.u32 $0x380, s26;
	s31 =	sand.u32 $0x1E0000, s28  }
0x10c: {  	s30 =	sor.u32 s31, s30  }
0x10d: {  	s30 =	sor.u32 s7, s30  }
0x10e: {  	s30 =	sshrl.u32 s30, $0x3  }
0x10f: {  	s30 =	sadd.s32 s1, s30  }
0x110: {  	[tilespmem:s16], [sflag:$0x5] =	stream.strided.gather [hbm4b:s30+s11], $0x200, s12, s11, $0x38;
	[tilespmem:$0x10800] =	vst v63  }
0x111: {  	_ =	swait.ge [sflag:s13], $0x200  }
0x112: {  	[sflag:s13] =	ssyncset.done $0x0  }
0x113: {  	[sflag:s13] =	ssyncadd.s32 $0xFFFFFE00  }
0x114: {  	v32 =	vld.idx.msk [tilespmem:v0+s16+$0x0], $0xffff;
	_ =	sdelay $0x4  }
0x115: {  	[tilespmem:$0x500] =	vst v32  }
0x116: {  	v32 =	vld.idx.msk [tilespmem:v1+s16+$0x0], $0xffff;
	_ =	sdelay $0x4  }
0x117: {  	[tilespmem:$0x700] =	vst v32  }
0x118: {  	v32 =	vld.idx.msk [tilespmem:v2+s16+$0x0], $0xffff;
	_ =	sdelay $0x4  }
0x119: {  	[tilespmem:$0x510] =	vst v32  }
0x11a: {  	v32 =	vld.idx.msk [tilespmem:v3+s16+$0x0], $0xffff;
	_ =	sdelay $0x4  }
0x11b: {  	[tilespmem:$0x710] =	vst v32  }
0x11c: {  	v32 =	vld.idx.msk [tilespmem:v4+s16+$0x0], $0xffff;
	_ =	sdelay $0x4  }
0x11d: {  	[tilespmem:$0x520] =	vst v32  }
0x11e: {  	v32 =	vld.idx.msk [tilespmem:v5+s16+$0x0], $0xffff;
	_ =	sdelay $0x4  }
0x11f: {  	[tilespmem:$0x720] =	vst v32  }
0x120: {  	v32 =	vld.idx.msk [tilespmem:v6+s16+$0x0], $0xffff;
	_ =	sdelay $0x4  }
0x121: {  	[tilespmem:$0x530] =	vst v32  }
0x122: {  	v32 =	vld.idx.msk [tilespmem:v7+s16+$0x0], $0xffff;
	_ =	sdelay $0x4  }
0x123: {  	[tilespmem:$0x730] =	vst v32  }
0x124: {  	v32 =	vld.idx.msk [tilespmem:v8+s16+$0x0], $0xffff;
	_ =	sdelay $0x4  }
0x125: {  	[tilespmem:$0x540] =	vst v32  }
0x126: {  	v32 =	vld.idx.msk [tilespmem:v9+s16+$0x0], $0xffff;
	_ =	sdelay $0x4  }
0x127: {  	[tilespmem:$0x740] =	vst v32  }
0x128: {  	v32 =	vld.idx.msk [tilespmem:v10+s16+$0x0], $0xffff;
	_ =	sdelay $0x4  }
0x129: {  	[tilespmem:$0x550] =	vst v32  }
0x12a: {  	v32 =	vld.idx.msk [tilespmem:v11+s16+$0x0], $0xffff;
	_ =	sdelay $0x4  }
0x12b: {  	[tilespmem:$0x750] =	vst v32  }
0x12c: {  	v32 =	vld.idx.msk [tilespmem:v12+s16+$0x0], $0xffff;
	_ =	sdelay $0x4  }
0x12d: {  	[tilespmem:$0x560] =	vst v32  }
0x12e: {  	v32 =	vld.idx.msk [tilespmem:v13+s16+$0x0], $0xffff;
	_ =	sdelay $0x4  }
0x12f: {  	[tilespmem:$0x760] =	vst v32  }
0x130: {  	v32 =	vld.idx.msk [tilespmem:v14+s16+$0x0], $0xffff;
	_ =	sdelay $0x4  }
0x131: {  	[tilespmem:$0x570] =	vst v32  }
0x132: {  	v32 =	vld.idx.msk [tilespmem:v15+s16+$0x0], $0xffff;
	_ =	sdelay $0x4  }
0x133: {  	[tilespmem:$0x770] =	vst v32  }
0x134: {  	v32 =	vld.idx.msk [tilespmem:v16+s16+$0x0], $0xffff;
	_ =	sdelay $0x4  }
0x135: {  	[tilespmem:$0x580] =	vst v32  }
0x136: {  	v32 =	vld.idx.msk [tilespmem:v17+s16+$0x0], $0xffff;
	_ =	sdelay $0x4  }
0x137: {  	[tilespmem:$0x780] =	vst v32  }
0x138: {  	v32 =	vld.idx.msk [tilespmem:v18+s16+$0x0], $0xffff;
	_ =	sdelay $0x4  }
0x139: {  	[tilespmem:$0x590] =	vst v32  }
0x13a: {  	v32 =	vld.idx.msk [tilespmem:v19+s16+$0x0], $0xffff;
	_ =	sdelay $0x4  }
0x13b: {  	[tilespmem:$0x790] =	vst v32  }
0x13c: {  	v32 =	vld.idx.msk [tilespmem:v20+s16+$0x0], $0xffff;
	_ =	sdelay $0x4  }
0x13d: {  	[tilespmem:$0x5A0] =	vst v32  }
0x13e: {  	v32 =	vld.idx.msk [tilespmem:v21+s16+$0x0], $0xffff;
	_ =	sdelay $0x4  }
0x13f: {  	[tilespmem:$0x7A0] =	vst v32  }
0x140: {  	v32 =	vld.idx.msk [tilespmem:v22+s16+$0x0], $0xffff;
	_ =	sdelay $0x4  }
0x141: {  	[tilespmem:$0x5B0] =	vst v32  }
0x142: {  	v32 =	vld.idx.msk [tilespmem:v23+s16+$0x0], $0xffff;
	_ =	sdelay $0x4  }
0x143: {  	[tilespmem:$0x7B0] =	vst v32  }
0x144: {  	v32 =	vld.idx.msk [tilespmem:v24+s16+$0x0], $0xffff;
	_ =	sdelay $0x4  }
0x145: {  	[tilespmem:$0x5C0] =	vst v32  }
0x146: {  	v32 =	vld.idx.msk [tilespmem:v25+s16+$0x0], $0xffff;
	_ =	sdelay $0x4  }
0x147: {  	[tilespmem:$0x7C0] =	vst v32  }
0x148: {  	v32 =	vld.idx.msk [tilespmem:v26+s16+$0x0], $0xffff;
	_ =	sdelay $0x4  }
0x149: {  	[tilespmem:$0x5D0] =	vst v32  }
0x14a: {  	v32 =	vld.idx.msk [tilespmem:v27+s16+$0x0], $0xffff;
	_ =	sdelay $0x4  }
0x14b: {  	[tilespmem:$0x7D0] =	vst v32  }
0x14c: {  	v32 =	vld.idx.msk [tilespmem:v28+s16+$0x0], $0xffff;
	_ =	sdelay $0x4  }
0x14d: {  	[tilespmem:$0x5E0] =	vst v32  }
0x14e: {  	v32 =	vld.idx.msk [tilespmem:v29+s16+$0x0], $0xffff;
	_ =	sdelay $0x4  }
0x14f: {  	[tilespmem:$0x7E0] =	vst v32  }
0x150: {  	v32 =	vld.idx.msk [tilespmem:v30+s16+$0x0], $0xffff;
	_ =	sdelay $0x4  }
0x151: {  	[tilespmem:$0x5F0] =	vst v32  }
0x152: {  	v32 =	vld.idx.msk [tilespmem:v31+s16+$0x0], $0xffff;
	_ =	sdelay $0x1  }
.Ltmp6:
0x153: {  	_ = 	snop;
	(pc) =	sbr.rel .LBB2_6-.Ltmp6, $3  }
0x154: {  	_ =	sdelay $0x1  }
0x155: {  	[tilespmem:$0x7F0] =	vst v32  }
0x156: {  	[tilespmem:s18], [sflag:$0x2] =	stream.indirect.gather [hbm4b:s4+s14], $0x80, s17, s14, $0xb8;
	[tilespmem:$0x10800] =	vst v63  }
.LBB2_8:
0x157: {  	_ =	sfence.sel $0x180000  }
0x158: {  	[bflag:$0x0] =	sbarrier.arrive $0xFFFF  }
0x159: {  	_ =	strace $0x90000047  }
0x15a: {  	[bflag:$0x2] =	sbarrier.arrive $0xFFFF  }
0x15b: {  	p0 =	sne.s32 s2, $0x0;
	s0 =	rddreg [dreg:$0x3]  }
0x15c: {  	s0 =	sadd.s32 @!p0 $0x100000, s0  }
0x15d: {  	[sflag:s0] =	ssyncadd.tile.s32 @!p0 $0x1;
	_ =	shalt  }
.Lfunc_end2:
_tile_overlayer_lowered:
.L_overlay_start_2:
0x15e: {  	(tag) =	ssettag $0x2  }
0x15f: {  	s0 =	rddreg [dreg:$0x0];
	s2 =	stileid.u32  }
0x160: {  	s1 =	rddreg [dreg:$0x1];
	p0 =	sne.s32 s2, $0x0  }
0x161: {  	s3 =	rddreg [dreg:$0x2];
	[bflag:$0x3] =	sbarrier.arrive $0xFFFF;
	s2 =	simm.s32 @!p0 $0x1C05  }
0x162: {  	[timem:s3], [sflag:s2] =	dma.local @!p0 [hbm:s0], s1  }
0x163: {  	s0 =	simm.s32 @!p0 $0x5  }
0x164: {  	_ =	swait.ge @!p0 [sflag:s0], s1  }
0x165: {  	s1 =	ssub.s32 @!p0 $0x0, s1;
	[sflag:s0] =	ssyncset.done @!p0 $0x0  }
0x166: {  	[sflag:s0] =	ssyncadd.s32 @!p0 s1  }
0x167: {  	[bflag:$0x3] =	sbarrier.arrive $0xFFFF  }
0x168: {  	_ =	shalt  }

</sc_bundles>
